<compile_context>
chip_gen: v7x
topology: tpu7x:2x2x1
jax: 0.10.2.dev20260603
libtpu: 0.0.44.dev20260713+nightly
codegen_flags: <defaults>
</compile_context>

<pallas_src>
import jax
import jax.numpy as jnp
from jax import lax
from jax.experimental import pallas as pl
from jax.experimental.pallas import tpu as pltpu
from jax.experimental.pallas import tpu_sc as plsc

NC = 2
NS = 16
NW = NC * NS

CH = 80
ITERS = 125
NP = 10240
BLK = 1000


def _seg_sum_sc(h, eidx, with_deg):
  n, d = h.shape
  rpt = NP // NS

  out_type = [jax.ShapeDtypeStruct((NC, NP, d), jnp.float32)]
  scratch = [
      pltpu.VMEM((ITERS, CH), jnp.int32),
      pltpu.VMEM((ITERS, CH), jnp.int32),
      pltpu.VMEM((CH, d), jnp.float32),
      pltpu.VMEM_SHARED((NP, d), jnp.float32),
  ]
  if with_deg:
    out_type.append(jax.ShapeDtypeStruct((NC, NP), jnp.float32))
    scratch += [
        pltpu.VMEM((CH,), jnp.float32),
        pltpu.VMEM_SHARED((NP,), jnp.float32),
    ]

  mesh = plsc.VectorSubcoreMesh(core_axis_name="c", subcore_axis_name="s",
                                num_cores=NC, num_subcores=NS)

  def body(h_hbm, src_hbm, dst_hbm, z2_hbm, z1_hbm, *refs):
    if with_deg:
      out_hbm, deg_hbm, src_v, dst_v, rows_v, acc, ones_v, dacc = refs
    else:
      out_hbm, src_v, dst_v, rows_v, acc = refs
    c = lax.axis_index("c")
    s = lax.axis_index("s")
    wid = c * NS + s

    pltpu.sync_copy(z2_hbm, acc.at[pl.ds(s * rpt, rpt)])

    if with_deg:
      one16 = jnp.ones((16,), jnp.float32)
      for jj in range(CH // 16):
        ones_v[pl.ds(jj * 16, 16)] = one16

      @pl.when(s == 0)
      def _():
        pltpu.sync_copy(z1_hbm, dacc)

    plsc.subcore_barrier()

    pltpu.sync_copy(src_hbm.at[wid], src_v)
    pltpu.sync_copy(dst_hbm.at[wid], dst_v)

    def step(j, carry):
      pltpu.sync_copy(h_hbm.at[src_v.at[j]], rows_v)
      pltpu.sync_copy(rows_v, acc.at[dst_v.at[j]], add=True)
      if with_deg:
        pltpu.sync_copy(ones_v, dacc.at[dst_v.at[j]], add=True)
      return carry
    lax.fori_loop(0, ITERS, step, 0)

    plsc.subcore_barrier()

    pltpu.sync_copy(acc.at[pl.ds(s * rpt, rpt)],
                    out_hbm.at[c, pl.ds(s * rpt, rpt)])
    if with_deg:
      @pl.when(s == 0)
      def _():
        pltpu.sync_copy(dacc, deg_hbm.at[c])

  fn = pl.kernel(body, out_type=out_type, mesh=mesh, scratch_types=scratch)
  z2 = jnp.zeros((NP // NS, d), jnp.float32)
  z1 = jnp.zeros((NP,), jnp.float32)
  res = fn(h, eidx[0], eidx[1], z2, z1)
  return res if with_deg else res[0]


def _b16(v):
  return v.astype(jnp.bfloat16).astype(jnp.float32)


def _layer_body(h_ref, agg_ref, deg_ref, ws_ref, wn_ref, b_ref, out_ref):
  a = agg_ref[0] + agg_ref[1]
  dg = jnp.sum(deg_ref[...], axis=0)
  aggn = a / jnp.maximum(dg, 1.0)
  hs = lax.dot_general(_b16(h_ref[...]), _b16(ws_ref[...]),
                       (((1,), (1,)), ((), ())),
                       preferred_element_type=jnp.float32)
  hn = lax.dot_general(_b16(aggn), _b16(wn_ref[...]),
                       (((1,), (1,)), ((), ())),
                       preferred_element_type=jnp.float32)
  out_ref[...] = jnp.maximum(hs + hn + b_ref[...], 0.0)


def _layer_tc(h, agg, deg, ws, wn, b):
  n, d = h.shape
  grid = (n // BLK,)
  return pl.pallas_call(
      _layer_body,
      grid=grid,
      in_specs=[
          pl.BlockSpec((BLK, d), lambda i: (i, 0)),
          pl.BlockSpec((NC, BLK, d), lambda i: (0, i, 0)),
          pl.BlockSpec((NC, BLK, 1), lambda i: (0, i, 0)),
          pl.BlockSpec((d, d), lambda i: (0, 0)),
          pl.BlockSpec((d, d), lambda i: (0, 0)),
          pl.BlockSpec((1, d), lambda i: (0, 0)),
      ],
      out_specs=pl.BlockSpec((BLK, d), lambda i: (i, 0)),
      out_shape=jax.ShapeDtypeStruct((n, d), jnp.float32),
  )(h, agg, deg, ws, wn, b)


def _heads_body(h_ref, agg_ref, deg_ref, ws_ref, wn_ref, b_ref,
                wmu_ref, wsig_ref, weps_ref, bmu_ref, bsig_ref, beps_ref,
                gidx_ref, wv_ref, bv_ref,
                adv_ref, val_ref, gsum_ref, gcnt_ref):
  i = pl.program_id(0)
  ni = pl.num_programs(0)

  a = agg_ref[0] + agg_ref[1]
  dg = jnp.sum(deg_ref[...], axis=0)
  aggn = a / jnp.maximum(dg, 1.0)
  hs = lax.dot_general(_b16(h_ref[...]), _b16(ws_ref[...]),
                       (((1,), (1,)), ((), ())),
                       preferred_element_type=jnp.float32)
  hn = lax.dot_general(_b16(aggn), _b16(wn_ref[...]),
                       (((1,), (1,)), ((), ())),
                       preferred_element_type=jnp.float32)
  h2 = jnp.maximum(hs + hn + b_ref[...], 0.0)

  weff = wmu_ref[...] + wsig_ref[...] * weps_ref[...]
  beff = bmu_ref[...] + bsig_ref[...] * beps_ref[...]
  adv_ref[...] = lax.dot_general(_b16(h2), _b16(weff),
                                 (((1,), (1,)), ((), ())),
                                 preferred_element_type=jnp.float32) + beff

  gi = gidx_ref[0]
  gids = lax.broadcasted_iota(jnp.int32, (64, BLK), 0)
  onehot = (gids == jnp.broadcast_to(gi, (64, BLK))).astype(jnp.float32)

  @pl.when(i == 0)
  def _():
    gsum_ref[...] = jnp.zeros_like(gsum_ref)
    gcnt_ref[...] = jnp.zeros_like(gcnt_ref)

  gsum_ref[...] += lax.dot_general(onehot, h2, (((1,), (0,)), ((), ())),
                                   preferred_element_type=jnp.float32,
                       precision=lax.Precision.HIGHEST)
  gcnt_ref[...] += jnp.sum(onehot, axis=1, keepdims=True)

  @pl.when(i == ni - 1)
  def _():
    gmean = gsum_ref[...] / jnp.maximum(gcnt_ref[...], 1.0)
    vv = jnp.sum(_b16(gmean) * _b16(wv_ref[...]), axis=1, keepdims=True)
    val_ref[...] = vv + bv_ref[0, 0]


def _heads_tc(h, agg, deg, ws, wn, b, wmu, wsig, weps, bmu, bsig, beps,
              gidx, wv, bv):
  n, d = h.shape
  out_dim = wmu.shape[0]
  g = 64
  grid = (n // BLK,)
  return pl.pallas_call(
      _heads_body,
      grid=grid,
      in_specs=[
          pl.BlockSpec((BLK, d), lambda i: (i, 0)),
          pl.BlockSpec((NC, BLK, d), lambda i: (0, i, 0)),
          pl.BlockSpec((NC, BLK, 1), lambda i: (0, i, 0)),
          pl.BlockSpec((d, d), lambda i: (0, 0)),
          pl.BlockSpec((d, d), lambda i: (0, 0)),
          pl.BlockSpec((1, d), lambda i: (0, 0)),
          pl.BlockSpec((out_dim, d), lambda i: (0, 0)),
          pl.BlockSpec((out_dim, d), lambda i: (0, 0)),
          pl.BlockSpec((out_dim, d), lambda i: (0, 0)),
          pl.BlockSpec((1, out_dim), lambda i: (0, 0)),
          pl.BlockSpec((1, out_dim), lambda i: (0, 0)),
          pl.BlockSpec((1, out_dim), lambda i: (0, 0)),
          pl.BlockSpec((1, 1, BLK), lambda i: (i, 0, 0)),
          pl.BlockSpec((1, d), lambda i: (0, 0)),
          pl.BlockSpec((1, 1), lambda i: (0, 0)),
      ],
      out_specs=[
          pl.BlockSpec((BLK, out_dim), lambda i: (i, 0)),
          pl.BlockSpec((g, 1), lambda i: (0, 0)),
      ],
      out_shape=[
          jax.ShapeDtypeStruct((n, out_dim), jnp.float32),
          jax.ShapeDtypeStruct((g, 1), jnp.float32),
      ],
      scratch_shapes=[
          pltpu.VMEM((g, d), jnp.float32),
          pltpu.VMEM((g, 1), jnp.float32),
      ],
  )(h, agg, deg, ws, wn, b, wmu, wsig, weps, bmu, bsig, beps, gidx, wv, bv)


def kernel(x, edge_index, graph_indices, W1s, W1n, b1, W2s, W2n, b2,
           w_mu, w_sigma, w_eps, b_mu, b_sigma, b_eps, Wv, bv):
  n, d = x.shape
  e = edge_index.shape[1]
  ep = NW * ITERS * CH
  if ep > e:
    pad = jnp.stack([jnp.zeros((ep - e,), jnp.int32),
                     jnp.full((ep - e,), NP - 1, jnp.int32)])
    edge_index = jnp.concatenate([edge_index, pad], axis=1)
  eidx = (edge_index[0].reshape(NW, ITERS, CH),
          edge_index[1].reshape(NW, ITERS, CH))

  agg1, deg = _seg_sum_sc(x, eidx, with_deg=True)
  deg3 = deg.reshape(NC, NP, 1)
  h1 = _layer_tc(x, agg1, deg3, W1s, W1n, b1.reshape(1, d))

  agg2 = _seg_sum_sc(h1, eidx, with_deg=False)

  adv, val = _heads_tc(
      h1, agg2, deg3, W2s, W2n, b2.reshape(1, d),
      w_mu, w_sigma, w_eps,
      b_mu.reshape(1, -1), b_sigma.reshape(1, -1), b_eps.reshape(1, -1),
      graph_indices.reshape(n // BLK, 1, BLK), Wv, bv.reshape(1, 1))
  return adv, val

# --- scband reference (transcript-rebuilt; emitter-appended) ---
"""Pipeline reference for scband-head-network-18227841204586 (READ-ONLY COPY).

The authoritative reference and input builder live on the scoring server;
editing this copy changes nothing except your own understanding.
"""

import jax, jax.numpy as jnp
import numpy as np

N = 10000
E = 320000
D = 128
OUT = 8
G = 64


def _factorized_noise(key, size):
    noise = jax.random.normal(key, (size,), jnp.float32)
    return jnp.sign(noise) * jnp.sqrt(jnp.abs(noise))


def setup_inputs(seed: int = 0) -> dict:
    key = jax.random.key(seed)
    ks = jax.random.split(key, 24)
    x = jax.random.normal(ks[0], (N, D), jnp.float32)
    edge_index = jax.random.randint(ks[1], (2, E), 0, N, jnp.int32)
    graph_indices = jnp.sort(jax.random.randint(ks[2], (N,), 0, G, jnp.int32))
    s = 1.0 / np.sqrt(D)
    # GNN layer 1 (self + mean-neighbor transform, SAGE-style)
    W1s = jax.random.uniform(ks[3], (D, D), jnp.float32, -s, s)
    W1n = jax.random.uniform(ks[4], (D, D), jnp.float32, -s, s)
    b1 = jax.random.uniform(ks[5], (D,), jnp.float32, -s, s)
    # GNN layer 2
    W2s = jax.random.uniform(ks[6], (D, D), jnp.float32, -s, s)
    W2n = jax.random.uniform(ks[7], (D, D), jnp.float32, -s, s)
    b2 = jax.random.uniform(ks[8], (D,), jnp.float32, -s, s)
    # FactorizedNoisyLinear (advantage head)
    w_mu = jax.random.uniform(ks[9], (OUT, D), jnp.float32, -s, s)
    w_sigma = jnp.full((OUT, D), 0.5 * s, jnp.float32)
    b_mu = jax.random.uniform(ks[10], (OUT,), jnp.float32, -s, s)
    b_sigma = jnp.full((OUT,), 0.5 * s, jnp.float32)
    eps_in = _factorized_noise(ks[11], D)
    eps_out = _factorized_noise(ks[12], OUT)
    w_eps = jnp.outer(eps_out, eps_in)
    b_eps = eps_out
    # value head: Linear(hidden_channels * len(value_aggr_types)=128, 1)
    Wv = jax.random.uniform(ks[13], (1, D), jnp.float32, -s, s)
    bv = jax.random.uniform(ks[14], (1,), jnp.float32, -s, s)
    return {"x": x, "edge_index": edge_index, "graph_indices": graph_indices,
            "W1s": W1s, "W1n": W1n, "b1": b1,
            "W2s": W2s, "W2n": W2n, "b2": b2,
            "w_mu": w_mu, "w_sigma": w_sigma, "w_eps": w_eps,
            "b_mu": b_mu, "b_sigma": b_sigma, "b_eps": b_eps,
            "Wv": Wv, "bv": bv}


def _gnn_layer(h, edge_index, Ws, Wn, b):
    src = edge_index[0]
    dst = edge_index[1]
    msg = jnp.take(h, src, axis=0)
    agg = jax.ops.segment_sum(msg, dst, num_segments=N)
    deg = jax.ops.segment_sum(jnp.ones((E,), h.dtype), dst, num_segments=N)
    agg = agg / jnp.clip(deg, 1.0)[:, None]
    return jax.nn.relu(h @ Ws.T + agg @ Wn.T + b)


def reference(x, edge_index, graph_indices, W1s, W1n, b1, W2s, W2n, b2,
              w_mu, w_sigma, w_eps, b_mu, b_sigma, b_eps, Wv, bv):
    # BasicGNN body (2 layers)
    h = _gnn_layer(x, edge_index, W1s, W1n, b1)
    h = _gnn_layer(h, edge_index, W2s, W2n, b2)
    # FactorizedNoisyLinear: F.linear(h, mu + sigma*eps, bmu + bsigma*beps)
    advantages = h @ (w_mu + w_sigma * w_eps).T + (b_mu + b_sigma * b_eps)
    # value head: scatter-mean over graph_indices, then Linear
    sums = jax.ops.segment_sum(h, graph_indices, num_segments=G)
    cnt = jax.ops.segment_sum(jnp.ones((N,), h.dtype), graph_indices, num_segments=G)
    graph_parts = sums / jnp.clip(cnt, 1.0)[:, None]
    value = graph_parts @ Wv.T + bv
    return (advantages, value)

if __name__ == "__main__":
    import jax
    _d = setup_inputs()
    print(jax.jit(kernel)(*tuple(_d.values())))

</pallas_src>

<mosaic_0001>
#map = affine_map<(d0, d1) -> (0, 0)>
#map1 = affine_map<(d0, d1) -> (0, 0, 0)>
#map2 = affine_map<(d0, d1) -> (0)>
module attributes {stable_mosaic.version = 14 : i64} {
  func.func @body(%arg0: i32, %arg1: i32, %arg2: memref<10000x128xf32, #tpu.memory_space<hbm>>, %arg3: memref<32x125x80xi32, #tpu.memory_space<hbm>>, %arg4: memref<32x125x80xi32, #tpu.memory_space<hbm>>, %arg5: memref<640x128xf32, #tpu.memory_space<hbm>>, %arg6: memref<10240xf32, #tpu.memory_space<hbm>>, %arg7: memref<2x10240x128xf32, #tpu.memory_space<hbm>>, %arg8: memref<2x10240xf32, #tpu.memory_space<hbm>>, %arg9: memref<125x80xi32, #tpu.memory_space<vmem>>, %arg10: memref<125x80xi32, #tpu.memory_space<vmem>>, %arg11: memref<80x128xf32, #tpu.memory_space<vmem>>, %arg12: memref<10240x128xf32, #tpu.memory_space<vmem_shared>>, %arg13: memref<80xf32, #tpu.memory_space<vmem>>, %arg14: memref<10240xf32, #tpu.memory_space<vmem_shared>>) attributes {dimension_semantics = [#tpu.dimension_semantics<core_parallel>, #tpu.dimension_semantics<subcore_parallel>], iteration_bounds = array<i64: 2, 16>, scalar_prefetch = 0 : i64, scratch_operands = 6 : i64, tpu.core_type = #tpu.core_type<sc_vector_subcore>, window_params = [{transform_indices = #map}, {transform_indices = #map1}, {transform_indices = #map1}, {transform_indices = #map}, {transform_indices = #map2}, {transform_indices = #map1}, {transform_indices = #map}]} {
    %mul3A = arith.constant 16 : i32
    %mul3A_0 = arith.muli %arg0, %mul3A : i32
    %add3A = arith.addi %mul3A_0, %arg1 : i32
    %mul3A_1 = arith.constant 640 : i32
    %mul3A_2 = arith.muli %arg1, %mul3A_1 : i32
    "tpu.region"() ({
      %run_scoped3A = tpu.sem_alloc : memref<!tpu.dma_semaphore, #tpu.memory_space<semaphore_mem>>
      %dma_start3A = arith.constant 0 : i32
      %dma_start3A_40 = tpu.memref_slice %arg12[%mul3A_2, %dma_start3A] : memref<10240x128xf32, #tpu.memory_space<vmem_shared>> -> memref<640x128xf32, #tpu.memory_space<vmem_shared>>
      tpu.enqueue_dma source(%arg5 : memref<640x128xf32, #tpu.memory_space<hbm>>) target(%dma_start3A_40 : memref<640x128xf32, #tpu.memory_space<vmem_shared>>) target_semaphore(%run_scoped3A : memref<!tpu.dma_semaphore, #tpu.memory_space<semaphore_mem>>)
      %dma_wait3A = arith.constant 0 : i32
      %dma_wait3A_41 = tpu.memref_slice %arg12[%mul3A_2, %dma_wait3A] : memref<10240x128xf32, #tpu.memory_space<vmem_shared>> -> memref<640x128xf32, #tpu.memory_space<vmem_shared>>
      tpu.wait_dma2 semaphore(%run_scoped3A : memref<!tpu.dma_semaphore, #tpu.memory_space<semaphore_mem>>) src(%arg5 : memref<640x128xf32, #tpu.memory_space<hbm>>) dst(%dma_wait3A_41 : memref<640x128xf32, #tpu.memory_space<vmem_shared>>)
      tpu.yield
    }) : () -> ()
    %broadcast_in_dim3A = arith.constant 1.000000e+00 : f32
    %broadcast_in_dim3A_3 = vector.broadcast %broadcast_in_dim3A : f32 to vector<16xf32>
    %swap3A = arith.constant 0 : index
    %swap3A_4 = tpu.vector_load %arg13[%swap3A] {strides = array<i32>} : memref<80xf32, #tpu.memory_space<vmem>>, vector<16xf32>,
    %swap3A_5 = vector.shape_cast %swap3A_4 : vector<16xf32> to vector<16xf32>
    %swap3A_6 = vector.shape_cast %broadcast_in_dim3A_3 : vector<16xf32> to vector<16xf32>
    tpu.vector_store %arg13[%swap3A], %swap3A_6 {strides = array<i32>} : memref<80xf32, #tpu.memory_space<vmem>>, vector<16xf32>,
    %swap3A_7 = arith.constant 16 : index
    %swap3A_8 = tpu.vector_load %arg13[%swap3A_7] {strides = array<i32>} : memref<80xf32, #tpu.memory_space<vmem>>, vector<16xf32>,
    %swap3A_9 = vector.shape_cast %swap3A_8 : vector<16xf32> to vector<16xf32>
    %swap3A_10 = vector.shape_cast %broadcast_in_dim3A_3 : vector<16xf32> to vector<16xf32>
    tpu.vector_store %arg13[%swap3A_7], %swap3A_10 {strides = array<i32>} : memref<80xf32, #tpu.memory_space<vmem>>, vector<16xf32>,
    %swap3A_11 = arith.constant 32 : index
    %swap3A_12 = tpu.vector_load %arg13[%swap3A_11] {strides = array<i32>} : memref<80xf32, #tpu.memory_space<vmem>>, vector<16xf32>,
    %swap3A_13 = vector.shape_cast %swap3A_12 : vector<16xf32> to vector<16xf32>
    %swap3A_14 = vector.shape_cast %broadcast_in_dim3A_3 : vector<16xf32> to vector<16xf32>
    tpu.vector_store %arg13[%swap3A_11], %swap3A_14 {strides = array<i32>} : memref<80xf32, #tpu.memory_space<vmem>>, vector<16xf32>,
    %swap3A_15 = arith.constant 48 : index
    %swap3A_16 = tpu.vector_load %arg13[%swap3A_15] {strides = array<i32>} : memref<80xf32, #tpu.memory_space<vmem>>, vector<16xf32>,
    %swap3A_17 = vector.shape_cast %swap3A_16 : vector<16xf32> to vector<16xf32>
    %swap3A_18 = vector.shape_cast %broadcast_in_dim3A_3 : vector<16xf32> to vector<16xf32>
    tpu.vector_store %arg13[%swap3A_15], %swap3A_18 {strides = array<i32>} : memref<80xf32, #tpu.memory_space<vmem>>, vector<16xf32>,
    %swap3A_19 = arith.constant 64 : index
    %swap3A_20 = tpu.vector_load %arg13[%swap3A_19] {strides = array<i32>} : memref<80xf32, #tpu.memory_space<vmem>>, vector<16xf32>,
    %swap3A_21 = vector.shape_cast %swap3A_20 : vector<16xf32> to vector<16xf32>
    %swap3A_22 = vector.shape_cast %broadcast_in_dim3A_3 : vector<16xf32> to vector<16xf32>
    tpu.vector_store %arg13[%swap3A_19], %swap3A_22 {strides = array<i32>} : memref<80xf32, #tpu.memory_space<vmem>>, vector<16xf32>,
    %eq3A = arith.constant 0 : i32
    %eq3A_23 = arith.cmpi eq, %arg1, %eq3A : i32
    %convert_element_type3A = arith.extui %eq3A_23 : i1 to i32
    %cond3A = arith.constant 0 : i32
    %cond3A_24 = arith.cmpi ne, %convert_element_type3A, %cond3A : i32
    scf.if %cond3A_24 {
      "tpu.region"() ({
        %run_scoped3A = tpu.sem_alloc : memref<!tpu.dma_semaphore, #tpu.memory_space<semaphore_mem>>
        tpu.enqueue_dma source(%arg6 : memref<10240xf32, #tpu.memory_space<hbm>>) target(%arg14 : memref<10240xf32, #tpu.memory_space<vmem_shared>>) target_semaphore(%run_scoped3A : memref<!tpu.dma_semaphore, #tpu.memory_space<semaphore_mem>>)
        tpu.wait_dma2 semaphore(%run_scoped3A : memref<!tpu.dma_semaphore, #tpu.memory_space<semaphore_mem>>) src(%arg6 : memref<10240xf32, #tpu.memory_space<hbm>>) dst(%arg14 : memref<10240xf32, #tpu.memory_space<vmem_shared>>)
        tpu.yield
      }) : () -> ()
    } else {
    }
    %barrier3A = arith.constant 0 : index
    tpu.barrier barrier_id(%barrier3A)
    "tpu.region"() ({
      %run_scoped3A = tpu.sem_alloc : memref<!tpu.dma_semaphore, #tpu.memory_space<semaphore_mem>>
      %dma_start3A = arith.constant 0 : i32
      %dma_start3A_40 = arith.constant 0 : i32
      %dma_start3A_41 = tpu.memref_slice %arg3[%add3A, %dma_start3A, %dma_start3A_40] : memref<32x125x80xi32, #tpu.memory_space<hbm>> -> memref<1x125x80xi32, #tpu.memory_space<hbm>>
      %dma_start3A_42 = tpu.memref_squeeze %dma_start3A_41 : memref<1x125x80xi32, #tpu.memory_space<hbm>> -> memref<125x80xi32, #tpu.memory_space<hbm>>
      %dma_start3A_43 = arith.constant 0 : i32
      %dma_start3A_44 = arith.constant 0 : i32
      %dma_start3A_45 = tpu.memref_slice %arg3[%add3A, %dma_start3A_43, %dma_start3A_44] : memref<32x125x80xi32, #tpu.memory_space<hbm>> -> memref<1x125x80xi32, #tpu.memory_space<hbm>>
      %dma_start3A_46 = tpu.memref_squeeze %dma_start3A_45 : memref<1x125x80xi32, #tpu.memory_space<hbm>> -> memref<125x80xi32, #tpu.memory_space<hbm>>
      tpu.enqueue_dma source(%dma_start3A_46 : memref<125x80xi32, #tpu.memory_space<hbm>>) target(%arg9 : memref<125x80xi32, #tpu.memory_space<vmem>>) target_semaphore(%run_scoped3A : memref<!tpu.dma_semaphore, #tpu.memory_space<semaphore_mem>>)
      %dma_wait3A = arith.constant 0 : i32
      %dma_wait3A_47 = arith.constant 0 : i32
      %dma_wait3A_48 = tpu.memref_slice %arg3[%add3A, %dma_wait3A, %dma_wait3A_47] : memref<32x125x80xi32, #tpu.memory_space<hbm>> -> memref<1x125x80xi32, #tpu.memory_space<hbm>>
      %dma_wait3A_49 = tpu.memref_squeeze %dma_wait3A_48 : memref<1x125x80xi32, #tpu.memory_space<hbm>> -> memref<125x80xi32, #tpu.memory_space<hbm>>
      %dma_wait3A_50 = arith.constant 0 : i32
      %dma_wait3A_51 = arith.constant 0 : i32
      %dma_wait3A_52 = tpu.memref_slice %arg3[%add3A, %dma_wait3A_50, %dma_wait3A_51] : memref<32x125x80xi32, #tpu.memory_space<hbm>> -> memref<1x125x80xi32, #tpu.memory_space<hbm>>
      %dma_wait3A_53 = tpu.memref_squeeze %dma_wait3A_52 : memref<1x125x80xi32, #tpu.memory_space<hbm>> -> memref<125x80xi32, #tpu.memory_space<hbm>>
      tpu.wait_dma2 semaphore(%run_scoped3A : memref<!tpu.dma_semaphore, #tpu.memory_space<semaphore_mem>>) src(%dma_wait3A_53 : memref<125x80xi32, #tpu.memory_space<hbm>>) dst(%arg9 : memref<125x80xi32, #tpu.memory_space<vmem>>)
      tpu.yield
    }) : () -> ()
    "tpu.region"() ({
      %run_scoped3A = tpu.sem_alloc : memref<!tpu.dma_semaphore, #tpu.memory_space<semaphore_mem>>
      %dma_start3A = arith.constant 0 : i32
      %dma_start3A_40 = arith.constant 0 : i32
      %dma_start3A_41 = tpu.memref_slice %arg4[%add3A, %dma_start3A, %dma_start3A_40] : memref<32x125x80xi32, #tpu.memory_space<hbm>> -> memref<1x125x80xi32, #tpu.memory_space<hbm>>
      %dma_start3A_42 = tpu.memref_squeeze %dma_start3A_41 : memref<1x125x80xi32, #tpu.memory_space<hbm>> -> memref<125x80xi32, #tpu.memory_space<hbm>>
      %dma_start3A_43 = arith.constant 0 : i32
      %dma_start3A_44 = arith.constant 0 : i32
      %dma_start3A_45 = tpu.memref_slice %arg4[%add3A, %dma_start3A_43, %dma_start3A_44] : memref<32x125x80xi32, #tpu.memory_space<hbm>> -> memref<1x125x80xi32, #tpu.memory_space<hbm>>
      %dma_start3A_46 = tpu.memref_squeeze %dma_start3A_45 : memref<1x125x80xi32, #tpu.memory_space<hbm>> -> memref<125x80xi32, #tpu.memory_space<hbm>>
      tpu.enqueue_dma source(%dma_start3A_46 : memref<125x80xi32, #tpu.memory_space<hbm>>) target(%arg10 : memref<125x80xi32, #tpu.memory_space<vmem>>) target_semaphore(%run_scoped3A : memref<!tpu.dma_semaphore, #tpu.memory_space<semaphore_mem>>)
      %dma_wait3A = arith.constant 0 : i32
      %dma_wait3A_47 = arith.constant 0 : i32
      %dma_wait3A_48 = tpu.memref_slice %arg4[%add3A, %dma_wait3A, %dma_wait3A_47] : memref<32x125x80xi32, #tpu.memory_space<hbm>> -> memref<1x125x80xi32, #tpu.memory_space<hbm>>
      %dma_wait3A_49 = tpu.memref_squeeze %dma_wait3A_48 : memref<1x125x80xi32, #tpu.memory_space<hbm>> -> memref<125x80xi32, #tpu.memory_space<hbm>>
      %dma_wait3A_50 = arith.constant 0 : i32
      %dma_wait3A_51 = arith.constant 0 : i32
      %dma_wait3A_52 = tpu.memref_slice %arg4[%add3A, %dma_wait3A_50, %dma_wait3A_51] : memref<32x125x80xi32, #tpu.memory_space<hbm>> -> memref<1x125x80xi32, #tpu.memory_space<hbm>>
      %dma_wait3A_53 = tpu.memref_squeeze %dma_wait3A_52 : memref<1x125x80xi32, #tpu.memory_space<hbm>> -> memref<125x80xi32, #tpu.memory_space<hbm>>
      tpu.wait_dma2 semaphore(%run_scoped3A : memref<!tpu.dma_semaphore, #tpu.memory_space<semaphore_mem>>) src(%dma_wait3A_53 : memref<125x80xi32, #tpu.memory_space<hbm>>) dst(%arg10 : memref<125x80xi32, #tpu.memory_space<vmem>>)
      tpu.yield
    }) : () -> ()
    %scan3A = arith.constant 0 : i32
    %scan3A_25 = arith.constant 0 : i32
    %scan3A_26 = arith.constant 125 : i32
    %scan3A_27 = arith.addi %scan3A_25, %scan3A_26 : i32
    %scan3A_28 = arith.constant 1 : i32
    scf.for %scan3A_40 = %scan3A_25 to %scan3A_27 step %scan3A_28  : i32 {
      "tpu.region"() ({
        %run_scoped3A = tpu.sem_alloc : memref<!tpu.dma_semaphore, #tpu.memory_space<semaphore_mem>>
        %dma_start3A = arith.constant 0 : i32
        %dma_start3A_41 = tpu.memref_slice %arg9[%scan3A_40, %dma_start3A] : memref<125x80xi32, #tpu.memory_space<vmem>> -> memref<1x80xi32, #tpu.memory_space<vmem>>
        %dma_start3A_42 = tpu.memref_squeeze %dma_start3A_41 : memref<1x80xi32, #tpu.memory_space<vmem>> -> memref<80xi32, #tpu.memory_space<vmem>>
        %dma_start3A_43 = arith.constant 0 : i32
        %dma_start3A_44 = arith.constant 0 : i32
        %dma_start3A_45 = tpu.memref_slice %arg2[%dma_start3A_43, %dma_start3A_44] : memref<10000x128xf32, #tpu.memory_space<hbm>> -> memref<10000x128xf32, #tpu.memory_space<hbm>>
        tpu.enqueue_indirect_dma source(%dma_start3A_45 : memref<10000x128xf32, #tpu.memory_space<hbm>>) target(%arg11 : memref<80x128xf32, #tpu.memory_space<vmem>>) offsets(%dma_start3A_42 : memref<80xi32, #tpu.memory_space<vmem>>) semaphore(%run_scoped3A : memref<!tpu.dma_semaphore, #tpu.memory_space<semaphore_mem>>)
        %dma_wait3A = arith.constant 0 : i32
        %dma_wait3A_46 = tpu.memref_slice %arg9[%scan3A_40, %dma_wait3A] : memref<125x80xi32, #tpu.memory_space<vmem>> -> memref<1x80xi32, #tpu.memory_space<vmem>>
        %dma_wait3A_47 = tpu.memref_squeeze %dma_wait3A_46 : memref<1x80xi32, #tpu.memory_space<vmem>> -> memref<80xi32, #tpu.memory_space<vmem>>
        %dma_wait3A_48 = arith.constant 0 : i32
        %dma_wait3A_49 = arith.constant 0 : i32
        %dma_wait3A_50 = tpu.memref_slice %arg2[%dma_wait3A_48, %dma_wait3A_49] : memref<10000x128xf32, #tpu.memory_space<hbm>> -> memref<10000x128xf32, #tpu.memory_space<hbm>>
        tpu.wait_indirect_dma semaphore(%run_scoped3A : memref<!tpu.dma_semaphore, #tpu.memory_space<semaphore_mem>>) src(%dma_wait3A_50 : memref<10000x128xf32, #tpu.memory_space<hbm>>) dst(%arg11 : memref<80x128xf32, #tpu.memory_space<vmem>>)
        tpu.yield
      }) : () -> ()
      "tpu.region"() ({
        %run_scoped3A = tpu.sem_alloc : memref<!tpu.dma_semaphore, #tpu.memory_space<semaphore_mem>>
        %dma_start3A = arith.constant 0 : i32
        %dma_start3A_41 = tpu.memref_slice %arg10[%scan3A_40, %dma_start3A] : memref<125x80xi32, #tpu.memory_space<vmem>> -> memref<1x80xi32, #tpu.memory_space<vmem>>
        %dma_start3A_42 = tpu.memref_squeeze %dma_start3A_41 : memref<1x80xi32, #tpu.memory_space<vmem>> -> memref<80xi32, #tpu.memory_space<vmem>>
        %dma_start3A_43 = arith.constant 0 : i32
        %dma_start3A_44 = arith.constant 0 : i32
        %dma_start3A_45 = tpu.memref_slice %arg12[%dma_start3A_43, %dma_start3A_44] : memref<10240x128xf32, #tpu.memory_space<vmem_shared>> -> memref<10240x128xf32, #tpu.memory_space<vmem_shared>>
        tpu.enqueue_indirect_dma source(%arg11 : memref<80x128xf32, #tpu.memory_space<vmem>>) target(%dma_start3A_45 : memref<10240x128xf32, #tpu.memory_space<vmem_shared>>) offsets(%dma_start3A_42 : memref<80xi32, #tpu.memory_space<vmem>>) semaphore(%run_scoped3A : memref<!tpu.dma_semaphore, #tpu.memory_space<semaphore_mem>>) {add = true}
        %dma_wait3A = arith.constant 0 : i32
        %dma_wait3A_46 = tpu.memref_slice %arg10[%scan3A_40, %dma_wait3A] : memref<125x80xi32, #tpu.memory_space<vmem>> -> memref<1x80xi32, #tpu.memory_space<vmem>>
        %dma_wait3A_47 = tpu.memref_squeeze %dma_wait3A_46 : memref<1x80xi32, #tpu.memory_space<vmem>> -> memref<80xi32, #tpu.memory_space<vmem>>
        %dma_wait3A_48 = arith.constant 0 : i32
        %dma_wait3A_49 = arith.constant 0 : i32
        %dma_wait3A_50 = tpu.memref_slice %arg12[%dma_wait3A_48, %dma_wait3A_49] : memref<10240x128xf32, #tpu.memory_space<vmem_shared>> -> memref<10240x128xf32, #tpu.memory_space<vmem_shared>>
        tpu.wait_indirect_dma semaphore(%run_scoped3A : memref<!tpu.dma_semaphore, #tpu.memory_space<semaphore_mem>>) src(%arg11 : memref<80x128xf32, #tpu.memory_space<vmem>>) dst(%dma_wait3A_50 : memref<10240x128xf32, #tpu.memory_space<vmem_shared>>)
        tpu.yield
      }) : () -> ()
      "tpu.region"() ({
        %run_scoped3A = tpu.sem_alloc : memref<!tpu.dma_semaphore, #tpu.memory_space<semaphore_mem>>
        %dma_start3A = arith.constant 0 : i32
        %dma_start3A_41 = tpu.memref_slice %arg10[%scan3A_40, %dma_start3A] : memref<125x80xi32, #tpu.memory_space<vmem>> -> memref<1x80xi32, #tpu.memory_space<vmem>>
        %dma_start3A_42 = tpu.memref_squeeze %dma_start3A_41 : memref<1x80xi32, #tpu.memory_space<vmem>> -> memref<80xi32, #tpu.memory_space<vmem>>
        %dma_start3A_43 = arith.constant 0 : i32
        %dma_start3A_44 = tpu.memref_slice %arg14[%dma_start3A_43] : memref<10240xf32, #tpu.memory_space<vmem_shared>> -> memref<10240xf32, #tpu.memory_space<vmem_shared>>
        tpu.enqueue_indirect_dma source(%arg13 : memref<80xf32, #tpu.memory_space<vmem>>) target(%dma_start3A_44 : memref<10240xf32, #tpu.memory_space<vmem_shared>>) offsets(%dma_start3A_42 : memref<80xi32, #tpu.memory_space<vmem>>) semaphore(%run_scoped3A : memref<!tpu.dma_semaphore, #tpu.memory_space<semaphore_mem>>) {add = true}
        %dma_wait3A = arith.constant 0 : i32
        %dma_wait3A_45 = tpu.memref_slice %arg10[%scan3A_40, %dma_wait3A] : memref<125x80xi32, #tpu.memory_space<vmem>> -> memref<1x80xi32, #tpu.memory_space<vmem>>
        %dma_wait3A_46 = tpu.memref_squeeze %dma_wait3A_45 : memref<1x80xi32, #tpu.memory_space<vmem>> -> memref<80xi32, #tpu.memory_space<vmem>>
        %dma_wait3A_47 = arith.constant 0 : i32
        %dma_wait3A_48 = tpu.memref_slice %arg14[%dma_wait3A_47] : memref<10240xf32, #tpu.memory_space<vmem_shared>> -> memref<10240xf32, #tpu.memory_space<vmem_shared>>
        tpu.wait_indirect_dma semaphore(%run_scoped3A : memref<!tpu.dma_semaphore, #tpu.memory_space<semaphore_mem>>) src(%arg13 : memref<80xf32, #tpu.memory_space<vmem>>) dst(%dma_wait3A_48 : memref<10240xf32, #tpu.memory_space<vmem_shared>>)
        tpu.yield
      }) : () -> ()
    }
    %scan3A_29 = arith.constant 125 : i32
    %barrier3A_30 = arith.constant 0 : index
    tpu.barrier barrier_id(%barrier3A_30)
    %mul3A_31 = arith.constant 640 : i32
    %mul3A_32 = arith.muli %arg1, %mul3A_31 : i32
    %mul3A_33 = arith.constant 640 : i32
    %mul3A_34 = arith.muli %arg1, %mul3A_33 : i32
    "tpu.region"() ({
      %run_scoped3A = tpu.sem_alloc : memref<!tpu.dma_semaphore, #tpu.memory_space<semaphore_mem>>
      %dma_start3A = arith.constant 0 : i32
      %dma_start3A_40 = tpu.memref_slice %arg7[%arg0, %mul3A_34, %dma_start3A] : memref<2x10240x128xf32, #tpu.memory_space<hbm>> -> memref<1x640x128xf32, #tpu.memory_space<hbm>>
      %dma_start3A_41 = tpu.memref_squeeze %dma_start3A_40 : memref<1x640x128xf32, #tpu.memory_space<hbm>> -> memref<640x128xf32, #tpu.memory_space<hbm>>
      %dma_start3A_42 = arith.constant 0 : i32
      %dma_start3A_43 = tpu.memref_slice %arg12[%mul3A_32, %dma_start3A_42] : memref<10240x128xf32, #tpu.memory_space<vmem_shared>> -> memref<640x128xf32, #tpu.memory_space<vmem_shared>>
      tpu.enqueue_dma source(%dma_start3A_43 : memref<640x128xf32, #tpu.memory_space<vmem_shared>>) target(%dma_start3A_41 : memref<640x128xf32, #tpu.memory_space<hbm>>) target_semaphore(%run_scoped3A : memref<!tpu.dma_semaphore, #tpu.memory_space<semaphore_mem>>)
      %dma_wait3A = arith.constant 0 : i32
      %dma_wait3A_44 = tpu.memref_slice %arg7[%arg0, %mul3A_34, %dma_wait3A] : memref<2x10240x128xf32, #tpu.memory_space<hbm>> -> memref<1x640x128xf32, #tpu.memory_space<hbm>>
      %dma_wait3A_45 = tpu.memref_squeeze %dma_wait3A_44 : memref<1x640x128xf32, #tpu.memory_space<hbm>> -> memref<640x128xf32, #tpu.memory_space<hbm>>
      %dma_wait3A_46 = arith.constant 0 : i32
      %dma_wait3A_47 = tpu.memref_slice %arg12[%mul3A_32, %dma_wait3A_46] : memref<10240x128xf32, #tpu.memory_space<vmem_shared>> -> memref<640x128xf32, #tpu.memory_space<vmem_shared>>
      tpu.wait_dma2 semaphore(%run_scoped3A : memref<!tpu.dma_semaphore, #tpu.memory_space<semaphore_mem>>) src(%dma_wait3A_47 : memref<640x128xf32, #tpu.memory_space<vmem_shared>>) dst(%dma_wait3A_45 : memref<640x128xf32, #tpu.memory_space<hbm>>)
      tpu.yield
    }) : () -> ()
    %eq3A_35 = arith.constant 0 : i32
    %eq3A_36 = arith.cmpi eq, %arg1, %eq3A_35 : i32
    %convert_element_type3A_37 = arith.extui %eq3A_36 : i1 to i32
    %cond3A_38 = arith.constant 0 : i32
    %cond3A_39 = arith.cmpi ne, %convert_element_type3A_37, %cond3A_38 : i32
    scf.if %cond3A_39 {
      "tpu.region"() ({
        %run_scoped3A = tpu.sem_alloc : memref<!tpu.dma_semaphore, #tpu.memory_space<semaphore_mem>>
        %dma_start3A = arith.constant 0 : i32
        %dma_start3A_40 = tpu.memref_slice %arg8[%arg0, %dma_start3A] : memref<2x10240xf32, #tpu.memory_space<hbm>> -> memref<1x10240xf32, #tpu.memory_space<hbm>>
        %dma_start3A_41 = tpu.memref_squeeze %dma_start3A_40 : memref<1x10240xf32, #tpu.memory_space<hbm>> -> memref<10240xf32, #tpu.memory_space<hbm>>
        tpu.enqueue_dma source(%arg14 : memref<10240xf32, #tpu.memory_space<vmem_shared>>) target(%dma_start3A_41 : memref<10240xf32, #tpu.memory_space<hbm>>) target_semaphore(%run_scoped3A : memref<!tpu.dma_semaphore, #tpu.memory_space<semaphore_mem>>)
        %dma_wait3A = arith.constant 0 : i32
        %dma_wait3A_42 = tpu.memref_slice %arg8[%arg0, %dma_wait3A] : memref<2x10240xf32, #tpu.memory_space<hbm>> -> memref<1x10240xf32, #tpu.memory_space<hbm>>
        %dma_wait3A_43 = tpu.memref_squeeze %dma_wait3A_42 : memref<1x10240xf32, #tpu.memory_space<hbm>> -> memref<10240xf32, #tpu.memory_space<hbm>>
        tpu.wait_dma2 semaphore(%run_scoped3A : memref<!tpu.dma_semaphore, #tpu.memory_space<semaphore_mem>>) src(%arg14 : memref<10240xf32, #tpu.memory_space<vmem_shared>>) dst(%dma_wait3A_43 : memref<10240xf32, #tpu.memory_space<hbm>>)
        tpu.yield
      }) : () -> ()
    } else {
    }
    return
  }
}

#map = affine_map<(d0, d1) -> (0, 0)>
#map1 = affine_map<(d0, d1) -> (0, 0, 0)>
#map2 = affine_map<(d0, d1) -> (0)>
module attributes {stable_mosaic.version = 14 : i64} {
  func.func @body(%arg0: i32, %arg1: i32, %arg2: memref<10000x128xf32, #tpu.memory_space<hbm>>, %arg3: memref<32x125x80xi32, #tpu.memory_space<hbm>>, %arg4: memref<32x125x80xi32, #tpu.memory_space<hbm>>, %arg5: memref<640x128xf32, #tpu.memory_space<hbm>>, %arg6: memref<10240xf32, #tpu.memory_space<hbm>>, %arg7: memref<2x10240x128xf32, #tpu.memory_space<hbm>>, %arg8: memref<125x80xi32, #tpu.memory_space<vmem>>, %arg9: memref<125x80xi32, #tpu.memory_space<vmem>>, %arg10: memref<80x128xf32, #tpu.memory_space<vmem>>, %arg11: memref<10240x128xf32, #tpu.memory_space<vmem_shared>>) attributes {dimension_semantics = [#tpu.dimension_semantics<core_parallel>, #tpu.dimension_semantics<subcore_parallel>], iteration_bounds = array<i64: 2, 16>, scalar_prefetch = 0 : i64, scratch_operands = 4 : i64, tpu.core_type = #tpu.core_type<sc_vector_subcore>, window_params = [{transform_indices = #map}, {transform_indices = #map1}, {transform_indices = #map1}, {transform_indices = #map}, {transform_indices = #map2}, {transform_indices = #map1}]} {
    %mul3A = arith.constant 16 : i32
    %mul3A_0 = arith.muli %arg0, %mul3A : i32
    %add3A = arith.addi %mul3A_0, %arg1 : i32
    %mul3A_1 = arith.constant 640 : i32
    %mul3A_2 = arith.muli %arg1, %mul3A_1 : i32
    "tpu.region"() ({
      %run_scoped3A = tpu.sem_alloc : memref<!tpu.dma_semaphore, #tpu.memory_space<semaphore_mem>>
      %dma_start3A = arith.constant 0 : i32
      %dma_start3A_13 = tpu.memref_slice %arg11[%mul3A_2, %dma_start3A] : memref<10240x128xf32, #tpu.memory_space<vmem_shared>> -> memref<640x128xf32, #tpu.memory_space<vmem_shared>>
      tpu.enqueue_dma source(%arg5 : memref<640x128xf32, #tpu.memory_space<hbm>>) target(%dma_start3A_13 : memref<640x128xf32, #tpu.memory_space<vmem_shared>>) target_semaphore(%run_scoped3A : memref<!tpu.dma_semaphore, #tpu.memory_space<semaphore_mem>>)
      %dma_wait3A = arith.constant 0 : i32
      %dma_wait3A_14 = tpu.memref_slice %arg11[%mul3A_2, %dma_wait3A] : memref<10240x128xf32, #tpu.memory_space<vmem_shared>> -> memref<640x128xf32, #tpu.memory_space<vmem_shared>>
      tpu.wait_dma2 semaphore(%run_scoped3A : memref<!tpu.dma_semaphore, #tpu.memory_space<semaphore_mem>>) src(%arg5 : memref<640x128xf32, #tpu.memory_space<hbm>>) dst(%dma_wait3A_14 : memref<640x128xf32, #tpu.memory_space<vmem_shared>>)
      tpu.yield
    }) : () -> ()
    %barrier3A = arith.constant 0 : index
    tpu.barrier barrier_id(%barrier3A)
    "tpu.region"() ({
      %run_scoped3A = tpu.sem_alloc : memref<!tpu.dma_semaphore, #tpu.memory_space<semaphore_mem>>
      %dma_start3A = arith.constant 0 : i32
      %dma_start3A_13 = arith.constant 0 : i32
      %dma_start3A_14 = tpu.memref_slice %arg3[%add3A, %dma_start3A, %dma_start3A_13] : memref<32x125x80xi32, #tpu.memory_space<hbm>> -> memref<1x125x80xi32, #tpu.memory_space<hbm>>
      %dma_start3A_15 = tpu.memref_squeeze %dma_start3A_14 : memref<1x125x80xi32, #tpu.memory_space<hbm>> -> memref<125x80xi32, #tpu.memory_space<hbm>>
      %dma_start3A_16 = arith.constant 0 : i32
      %dma_start3A_17 = arith.constant 0 : i32
      %dma_start3A_18 = tpu.memref_slice %arg3[%add3A, %dma_start3A_16, %dma_start3A_17] : memref<32x125x80xi32, #tpu.memory_space<hbm>> -> memref<1x125x80xi32, #tpu.memory_space<hbm>>
      %dma_start3A_19 = tpu.memref_squeeze %dma_start3A_18 : memref<1x125x80xi32, #tpu.memory_space<hbm>> -> memref<125x80xi32, #tpu.memory_space<hbm>>
      tpu.enqueue_dma source(%dma_start3A_19 : memref<125x80xi32, #tpu.memory_space<hbm>>) target(%arg8 : memref<125x80xi32, #tpu.memory_space<vmem>>) target_semaphore(%run_scoped3A : memref<!tpu.dma_semaphore, #tpu.memory_space<semaphore_mem>>)
      %dma_wait3A = arith.constant 0 : i32
      %dma_wait3A_20 = arith.constant 0 : i32
      %dma_wait3A_21 = tpu.memref_slice %arg3[%add3A, %dma_wait3A, %dma_wait3A_20] : memref<32x125x80xi32, #tpu.memory_space<hbm>> -> memref<1x125x80xi32, #tpu.memory_space<hbm>>
      %dma_wait3A_22 = tpu.memref_squeeze %dma_wait3A_21 : memref<1x125x80xi32, #tpu.memory_space<hbm>> -> memref<125x80xi32, #tpu.memory_space<hbm>>
      %dma_wait3A_23 = arith.constant 0 : i32
      %dma_wait3A_24 = arith.constant 0 : i32
      %dma_wait3A_25 = tpu.memref_slice %arg3[%add3A, %dma_wait3A_23, %dma_wait3A_24] : memref<32x125x80xi32, #tpu.memory_space<hbm>> -> memref<1x125x80xi32, #tpu.memory_space<hbm>>
      %dma_wait3A_26 = tpu.memref_squeeze %dma_wait3A_25 : memref<1x125x80xi32, #tpu.memory_space<hbm>> -> memref<125x80xi32, #tpu.memory_space<hbm>>
      tpu.wait_dma2 semaphore(%run_scoped3A : memref<!tpu.dma_semaphore, #tpu.memory_space<semaphore_mem>>) src(%dma_wait3A_26 : memref<125x80xi32, #tpu.memory_space<hbm>>) dst(%arg8 : memref<125x80xi32, #tpu.memory_space<vmem>>)
      tpu.yield
    }) : () -> ()
    "tpu.region"() ({
      %run_scoped3A = tpu.sem_alloc : memref<!tpu.dma_semaphore, #tpu.memory_space<semaphore_mem>>
      %dma_start3A = arith.constant 0 : i32
      %dma_start3A_13 = arith.constant 0 : i32
      %dma_start3A_14 = tpu.memref_slice %arg4[%add3A, %dma_start3A, %dma_start3A_13] : memref<32x125x80xi32, #tpu.memory_space<hbm>> -> memref<1x125x80xi32, #tpu.memory_space<hbm>>
      %dma_start3A_15 = tpu.memref_squeeze %dma_start3A_14 : memref<1x125x80xi32, #tpu.memory_space<hbm>> -> memref<125x80xi32, #tpu.memory_space<hbm>>
      %dma_start3A_16 = arith.constant 0 : i32
      %dma_start3A_17 = arith.constant 0 : i32
      %dma_start3A_18 = tpu.memref_slice %arg4[%add3A, %dma_start3A_16, %dma_start3A_17] : memref<32x125x80xi32, #tpu.memory_space<hbm>> -> memref<1x125x80xi32, #tpu.memory_space<hbm>>
      %dma_start3A_19 = tpu.memref_squeeze %dma_start3A_18 : memref<1x125x80xi32, #tpu.memory_space<hbm>> -> memref<125x80xi32, #tpu.memory_space<hbm>>
      tpu.enqueue_dma source(%dma_start3A_19 : memref<125x80xi32, #tpu.memory_space<hbm>>) target(%arg9 : memref<125x80xi32, #tpu.memory_space<vmem>>) target_semaphore(%run_scoped3A : memref<!tpu.dma_semaphore, #tpu.memory_space<semaphore_mem>>)
      %dma_wait3A = arith.constant 0 : i32
      %dma_wait3A_20 = arith.constant 0 : i32
      %dma_wait3A_21 = tpu.memref_slice %arg4[%add3A, %dma_wait3A, %dma_wait3A_20] : memref<32x125x80xi32, #tpu.memory_space<hbm>> -> memref<1x125x80xi32, #tpu.memory_space<hbm>>
      %dma_wait3A_22 = tpu.memref_squeeze %dma_wait3A_21 : memref<1x125x80xi32, #tpu.memory_space<hbm>> -> memref<125x80xi32, #tpu.memory_space<hbm>>
      %dma_wait3A_23 = arith.constant 0 : i32
      %dma_wait3A_24 = arith.constant 0 : i32
      %dma_wait3A_25 = tpu.memref_slice %arg4[%add3A, %dma_wait3A_23, %dma_wait3A_24] : memref<32x125x80xi32, #tpu.memory_space<hbm>> -> memref<1x125x80xi32, #tpu.memory_space<hbm>>
      %dma_wait3A_26 = tpu.memref_squeeze %dma_wait3A_25 : memref<1x125x80xi32, #tpu.memory_space<hbm>> -> memref<125x80xi32, #tpu.memory_space<hbm>>
      tpu.wait_dma2 semaphore(%run_scoped3A : memref<!tpu.dma_semaphore, #tpu.memory_space<semaphore_mem>>) src(%dma_wait3A_26 : memref<125x80xi32, #tpu.memory_space<hbm>>) dst(%arg9 : memref<125x80xi32, #tpu.memory_space<vmem>>)
      tpu.yield
    }) : () -> ()
    %scan3A = arith.constant 0 : i32
    %scan3A_3 = arith.constant 0 : i32
    %scan3A_4 = arith.constant 125 : i32
    %scan3A_5 = arith.addi %scan3A_3, %scan3A_4 : i32
    %scan3A_6 = arith.constant 1 : i32
    scf.for %scan3A_13 = %scan3A_3 to %scan3A_5 step %scan3A_6  : i32 {
      "tpu.region"() ({
        %run_scoped3A = tpu.sem_alloc : memref<!tpu.dma_semaphore, #tpu.memory_space<semaphore_mem>>
        %dma_start3A = arith.constant 0 : i32
        %dma_start3A_14 = tpu.memref_slice %arg8[%scan3A_13, %dma_start3A] : memref<125x80xi32, #tpu.memory_space<vmem>> -> memref<1x80xi32, #tpu.memory_space<vmem>>
        %dma_start3A_15 = tpu.memref_squeeze %dma_start3A_14 : memref<1x80xi32, #tpu.memory_space<vmem>> -> memref<80xi32, #tpu.memory_space<vmem>>
        %dma_start3A_16 = arith.constant 0 : i32
        %dma_start3A_17 = arith.constant 0 : i32
        %dma_start3A_18 = tpu.memref_slice %arg2[%dma_start3A_16, %dma_start3A_17] : memref<10000x128xf32, #tpu.memory_space<hbm>> -> memref<10000x128xf32, #tpu.memory_space<hbm>>
        tpu.enqueue_indirect_dma source(%dma_start3A_18 : memref<10000x128xf32, #tpu.memory_space<hbm>>) target(%arg10 : memref<80x128xf32, #tpu.memory_space<vmem>>) offsets(%dma_start3A_15 : memref<80xi32, #tpu.memory_space<vmem>>) semaphore(%run_scoped3A : memref<!tpu.dma_semaphore, #tpu.memory_space<semaphore_mem>>)
        %dma_wait3A = arith.constant 0 : i32
        %dma_wait3A_19 = tpu.memref_slice %arg8[%scan3A_13, %dma_wait3A] : memref<125x80xi32, #tpu.memory_space<vmem>> -> memref<1x80xi32, #tpu.memory_space<vmem>>
        %dma_wait3A_20 = tpu.memref_squeeze %dma_wait3A_19 : memref<1x80xi32, #tpu.memory_space<vmem>> -> memref<80xi32, #tpu.memory_space<vmem>>
        %dma_wait3A_21 = arith.constant 0 : i32
        %dma_wait3A_22 = arith.constant 0 : i32
        %dma_wait3A_23 = tpu.memref_slice %arg2[%dma_wait3A_21, %dma_wait3A_22] : memref<10000x128xf32, #tpu.memory_space<hbm>> -> memref<10000x128xf32, #tpu.memory_space<hbm>>
        tpu.wait_indirect_dma semaphore(%run_scoped3A : memref<!tpu.dma_semaphore, #tpu.memory_space<semaphore_mem>>) src(%dma_wait3A_23 : memref<10000x128xf32, #tpu.memory_space<hbm>>) dst(%arg10 : memref<80x128xf32, #tpu.memory_space<vmem>>)
        tpu.yield
      }) : () -> ()
      "tpu.region"() ({
        %run_scoped3A = tpu.sem_alloc : memref<!tpu.dma_semaphore, #tpu.memory_space<semaphore_mem>>
        %dma_start3A = arith.constant 0 : i32
        %dma_start3A_14 = tpu.memref_slice %arg9[%scan3A_13, %dma_start3A] : memref<125x80xi32, #tpu.memory_space<vmem>> -> memref<1x80xi32, #tpu.memory_space<vmem>>
        %dma_start3A_15 = tpu.memref_squeeze %dma_start3A_14 : memref<1x80xi32, #tpu.memory_space<vmem>> -> memref<80xi32, #tpu.memory_space<vmem>>
        %dma_start3A_16 = arith.constant 0 : i32
        %dma_start3A_17 = arith.constant 0 : i32
        %dma_start3A_18 = tpu.memref_slice %arg11[%dma_start3A_16, %dma_start3A_17] : memref<10240x128xf32, #tpu.memory_space<vmem_shared>> -> memref<10240x128xf32, #tpu.memory_space<vmem_shared>>
        tpu.enqueue_indirect_dma source(%arg10 : memref<80x128xf32, #tpu.memory_space<vmem>>) target(%dma_start3A_18 : memref<10240x128xf32, #tpu.memory_space<vmem_shared>>) offsets(%dma_start3A_15 : memref<80xi32, #tpu.memory_space<vmem>>) semaphore(%run_scoped3A : memref<!tpu.dma_semaphore, #tpu.memory_space<semaphore_mem>>) {add = true}
        %dma_wait3A = arith.constant 0 : i32
        %dma_wait3A_19 = tpu.memref_slice %arg9[%scan3A_13, %dma_wait3A] : memref<125x80xi32, #tpu.memory_space<vmem>> -> memref<1x80xi32, #tpu.memory_space<vmem>>
        %dma_wait3A_20 = tpu.memref_squeeze %dma_wait3A_19 : memref<1x80xi32, #tpu.memory_space<vmem>> -> memref<80xi32, #tpu.memory_space<vmem>>
        %dma_wait3A_21 = arith.constant 0 : i32
        %dma_wait3A_22 = arith.constant 0 : i32
        %dma_wait3A_23 = tpu.memref_slice %arg11[%dma_wait3A_21, %dma_wait3A_22] : memref<10240x128xf32, #tpu.memory_space<vmem_shared>> -> memref<10240x128xf32, #tpu.memory_space<vmem_shared>>
        tpu.wait_indirect_dma semaphore(%run_scoped3A : memref<!tpu.dma_semaphore, #tpu.memory_space<semaphore_mem>>) src(%arg10 : memref<80x128xf32, #tpu.memory_space<vmem>>) dst(%dma_wait3A_23 : memref<10240x128xf32, #tpu.memory_space<vmem_shared>>)
        tpu.yield
      }) : () -> ()
    }
    %scan3A_7 = arith.constant 125 : i32
    %barrier3A_8 = arith.constant 0 : index
    tpu.barrier barrier_id(%barrier3A_8)
    %mul3A_9 = arith.constant 640 : i32
    %mul3A_10 = arith.muli %arg1, %mul3A_9 : i32
    %mul3A_11 = arith.constant 640 : i32
    %mul3A_12 = arith.muli %arg1, %mul3A_11 : i32
    "tpu.region"() ({
      %run_scoped3A = tpu.sem_alloc : memref<!tpu.dma_semaphore, #tpu.memory_space<semaphore_mem>>
      %dma_start3A = arith.constant 0 : i32
      %dma_start3A_13 = tpu.memref_slice %arg7[%arg0, %mul3A_12, %dma_start3A] : memref<2x10240x128xf32, #tpu.memory_space<hbm>> -> memref<1x640x128xf32, #tpu.memory_space<hbm>>
      %dma_start3A_14 = tpu.memref_squeeze %dma_start3A_13 : memref<1x640x128xf32, #tpu.memory_space<hbm>> -> memref<640x128xf32, #tpu.memory_space<hbm>>
      %dma_start3A_15 = arith.constant 0 : i32
      %dma_start3A_16 = tpu.memref_slice %arg11[%mul3A_10, %dma_start3A_15] : memref<10240x128xf32, #tpu.memory_space<vmem_shared>> -> memref<640x128xf32, #tpu.memory_space<vmem_shared>>
      tpu.enqueue_dma source(%dma_start3A_16 : memref<640x128xf32, #tpu.memory_space<vmem_shared>>) target(%dma_start3A_14 : memref<640x128xf32, #tpu.memory_space<hbm>>) target_semaphore(%run_scoped3A : memref<!tpu.dma_semaphore, #tpu.memory_space<semaphore_mem>>)
      %dma_wait3A = arith.constant 0 : i32
      %dma_wait3A_17 = tpu.memref_slice %arg7[%arg0, %mul3A_12, %dma_wait3A] : memref<2x10240x128xf32, #tpu.memory_space<hbm>> -> memref<1x640x128xf32, #tpu.memory_space<hbm>>
      %dma_wait3A_18 = tpu.memref_squeeze %dma_wait3A_17 : memref<1x640x128xf32, #tpu.memory_space<hbm>> -> memref<640x128xf32, #tpu.memory_space<hbm>>
      %dma_wait3A_19 = arith.constant 0 : i32
      %dma_wait3A_20 = tpu.memref_slice %arg11[%mul3A_10, %dma_wait3A_19] : memref<10240x128xf32, #tpu.memory_space<vmem_shared>> -> memref<640x128xf32, #tpu.memory_space<vmem_shared>>
      tpu.wait_dma2 semaphore(%run_scoped3A : memref<!tpu.dma_semaphore, #tpu.memory_space<semaphore_mem>>) src(%dma_wait3A_20 : memref<640x128xf32, #tpu.memory_space<vmem_shared>>) dst(%dma_wait3A_18 : memref<640x128xf32, #tpu.memory_space<hbm>>)
      tpu.yield
    }) : () -> ()
    return
  }
}

module attributes {stable_mosaic.version = 14 : i64} {
  func.func @_layer_body(%arg0: i32, %arg1: memref<1000x128xf32, #tpu.memory_space<vmem>>, %arg2: memref<2x1000x128xf32, #tpu.memory_space<vmem>>, %arg3: memref<2x1000x1xf32, #tpu.memory_space<vmem>>, %arg4: memref<128x128xf32, #tpu.memory_space<vmem>>, %arg5: memref<128x128xf32, #tpu.memory_space<vmem>>, %arg6: memref<1x128xf32, #tpu.memory_space<vmem>>, %arg7: memref<1000x128xf32, #tpu.memory_space<vmem>>) attributes {dimension_semantics = [#tpu.dimension_semantics<arbitrary>], iteration_bounds = array<i64: 10>, scalar_prefetch = 0 : i64, scratch_operands = 0 : i64, tpu.core_type = #tpu.core_type<tc>, window_params = [{transform_indices = @transform_0, window_bounds = array<i64: 1000, 128>}, {transform_indices = @transform_1, window_bounds = array<i64: 2, 1000, 128>}, {transform_indices = @transform_2, window_bounds = array<i64: 2, 1000, 1>}, {pipeline_mode = #tpu.pipeline_mode<synchronous>, transform_indices = @transform_3, window_bounds = array<i64: 128, 128>}, {pipeline_mode = #tpu.pipeline_mode<synchronous>, transform_indices = @transform_4, window_bounds = array<i64: 128, 128>}, {pipeline_mode = #tpu.pipeline_mode<synchronous>, transform_indices = @transform_5, window_bounds = array<i64: 1, 128>}, {transform_indices = @transform_6, window_bounds = array<i64: 1000, 128>}]} {
    %get3A = arith.constant 0 : index
    %get3A_0 = arith.constant 0 : index
    %get3A_1 = arith.constant 0 : index
    %get3A_2 = vector.load %arg2[%get3A, %get3A_0, %get3A_1] : memref<2x1000x128xf32, #tpu.memory_space<vmem>>, vector<1x1000x128xf32>
    %get3A_3 = vector.shape_cast %get3A_2 : vector<1x1000x128xf32> to vector<1000x128xf32>
    %get3A_4 = arith.constant 1 : index
    %get3A_5 = arith.constant 0 : index
    %get3A_6 = arith.constant 0 : index
    %get3A_7 = vector.load %arg2[%get3A_4, %get3A_5, %get3A_6] : memref<2x1000x128xf32, #tpu.memory_space<vmem>>, vector<1x1000x128xf32>
    %get3A_8 = vector.shape_cast %get3A_7 : vector<1x1000x128xf32> to vector<1000x128xf32>
    %add3A = arith.addf %get3A_3, %get3A_8 : vector<1000x128xf32>
    %get3A_9 = arith.constant 0 : index
    %get3A_10 = arith.constant 0 : index
    %get3A_11 = arith.constant 0 : index
    %get3A_12 = vector.load %arg3[%get3A_9, %get3A_10, %get3A_11] : memref<2x1000x1xf32, #tpu.memory_space<vmem>>, vector<2x1000x1xf32>
    %reduce_sum3A = arith.constant dense<0.000000e+00> : vector<1000x1xf32>
    %reduce_sum3A_13 = vector.multi_reduction <add>, %get3A_12, %reduce_sum3A [0] : vector<2x1000x1xf32> to vector<1000x1xf32>
    %max3A = arith.constant 1.000000e+00 : f32
    %max3A_14 = vector.broadcast %max3A : f32 to vector<1000x1xf32>
    %max3A_15 = arith.maximumf %reduce_sum3A_13, %max3A_14 : vector<1000x1xf32>
    %div3A = vector.broadcast %max3A_15 : vector<1000x1xf32> to vector<1000x128xf32>
    %div3A_16 = arith.divf %add3A, %div3A : vector<1000x128xf32>
    %get3A_17 = arith.constant 0 : index
    %get3A_18 = arith.constant 0 : index
    %get3A_19 = vector.load %arg1[%get3A_17, %get3A_18] : memref<1000x128xf32, #tpu.memory_space<vmem>>, vector<1000x128xf32>
    %convert_element_type3A = arith.truncf %get3A_19 : vector<1000x128xf32> to vector<1000x128xbf16>
    %convert_element_type3A_20 = arith.extf %convert_element_type3A : vector<1000x128xbf16> to vector<1000x128xf32>
    %get3A_21 = arith.constant 0 : index
    %get3A_22 = arith.constant 0 : index
    %get3A_23 = vector.load %arg4[%get3A_21, %get3A_22] : memref<128x128xf32, #tpu.memory_space<vmem>>, vector<128x128xf32>
    %convert_element_type3A_24 = arith.truncf %get3A_23 : vector<128x128xf32> to vector<128x128xbf16>
    %convert_element_type3A_25 = arith.extf %convert_element_type3A_24 : vector<128x128xbf16> to vector<128x128xf32>
    %dot_general3A = arith.constant dense<0.000000e+00> : vector<1000x128xf32>
    %dot_general3A_26 = tpu.matmul %convert_element_type3A_20, %convert_element_type3A_25, %dot_general3A {dimension_numbers = #tpu.dot_dimension_numbers<[1], [1], [0], [0], [0, 0, 1, 0], [], []>, transpose_lhs_hint = false} : vector<1000x128xf32>, vector<128x128xf32>, vector<1000x128xf32> -> vector<1000x128xf32>
    %convert_element_type3A_27 = arith.truncf %div3A_16 : vector<1000x128xf32> to vector<1000x128xbf16>
    %convert_element_type3A_28 = arith.extf %convert_element_type3A_27 : vector<1000x128xbf16> to vector<1000x128xf32>
    %get3A_29 = arith.constant 0 : index
    %get3A_30 = arith.constant 0 : index
    %get3A_31 = vector.load %arg5[%get3A_29, %get3A_30] : memref<128x128xf32, #tpu.memory_space<vmem>>, vector<128x128xf32>
    %convert_element_type3A_32 = arith.truncf %get3A_31 : vector<128x128xf32> to vector<128x128xbf16>
    %convert_element_type3A_33 = arith.extf %convert_element_type3A_32 : vector<128x128xbf16> to vector<128x128xf32>
    %dot_general3A_34 = arith.constant dense<0.000000e+00> : vector<1000x128xf32>
    %dot_general3A_35 = tpu.matmul %convert_element_type3A_28, %convert_element_type3A_33, %dot_general3A_34 {dimension_numbers = #tpu.dot_dimension_numbers<[1], [1], [0], [0], [0, 0, 1, 0], [], []>, transpose_lhs_hint = false} : vector<1000x128xf32>, vector<128x128xf32>, vector<1000x128xf32> -> vector<1000x128xf32>
    %add3A_36 = arith.addf %dot_general3A_26, %dot_general3A_35 : vector<1000x128xf32>
    %get3A_37 = arith.constant 0 : index
    %get3A_38 = arith.constant 0 : index
    %get3A_39 = vector.load %arg6[%get3A_37, %get3A_38] : memref<1x128xf32, #tpu.memory_space<vmem>>, vector<1x128xf32>
    %add3A_40 = vector.broadcast %get3A_39 : vector<1x128xf32> to vector<1000x128xf32>
    %add3A_41 = arith.addf %add3A_36, %add3A_40 : vector<1000x128xf32>
    %max3A_42 = arith.constant 0.000000e+00 : f32
    %max3A_43 = vector.broadcast %max3A_42 : f32 to vector<1000x128xf32>
    %max3A_44 = arith.maximumf %add3A_41, %max3A_43 : vector<1000x128xf32>
    %swap3A = arith.constant 0 : index
    %swap3A_45 = arith.constant 0 : index
    %swap3A_46 = vector.load %arg7[%swap3A, %swap3A_45] : memref<1000x128xf32, #tpu.memory_space<vmem>>, vector<1000x128xf32>
    tpu.vector_store %arg7[%swap3A, %swap3A_45], %max3A_44 {strides = array<i32>} : memref<1000x128xf32, #tpu.memory_space<vmem>>, vector<1000x128xf32>,
    return
  }
  func.func @transform_0(%arg0: i32) -> (i32, i32) {
    %c0_i32 = arith.constant 0 : i32
    %c0_i32_0 = arith.constant 0 : i32
    return %arg0, %c0_i32 : i32, i32
  }
  func.func @transform_1(%arg0: i32) -> (i32, i32, i32) {
    %c0_i32 = arith.constant 0 : i32
    %c0_i32_0 = arith.constant 0 : i32
    %c0_i32_1 = arith.constant 0 : i32
    return %c0_i32, %arg0, %c0_i32_0 : i32, i32, i32
  }
  func.func @transform_2(%arg0: i32) -> (i32, i32, i32) {
    %c0_i32 = arith.constant 0 : i32
    %c0_i32_0 = arith.constant 0 : i32
    %c0_i32_1 = arith.constant 0 : i32
    return %c0_i32, %arg0, %c0_i32_0 : i32, i32, i32
  }
  func.func @transform_3(%arg0: i32) -> (i32, i32) {
    %c0_i32 = arith.constant 0 : i32
    %c0_i32_0 = arith.constant 0 : i32
    %c0_i32_1 = arith.constant 0 : i32
    return %c0_i32, %c0_i32_0 : i32, i32
  }
  func.func @transform_4(%arg0: i32) -> (i32, i32) {
    %c0_i32 = arith.constant 0 : i32
    %c0_i32_0 = arith.constant 0 : i32
    %c0_i32_1 = arith.constant 0 : i32
    return %c0_i32, %c0_i32_0 : i32, i32
  }
  func.func @transform_5(%arg0: i32) -> (i32, i32) {
    %c0_i32 = arith.constant 0 : i32
    %c0_i32_0 = arith.constant 0 : i32
    %c0_i32_1 = arith.constant 0 : i32
    return %c0_i32, %c0_i32_0 : i32, i32
  }
  func.func @transform_6(%arg0: i32) -> (i32, i32) {
    %c0_i32 = arith.constant 0 : i32
    %c0_i32_0 = arith.constant 0 : i32
    return %arg0, %c0_i32 : i32, i32
  }
}

module attributes {stable_mosaic.version = 14 : i64} {
  func.func @_heads_body(%arg0: i32, %arg1: memref<1000x128xf32, #tpu.memory_space<vmem>>, %arg2: memref<2x1000x128xf32, #tpu.memory_space<vmem>>, %arg3: memref<2x1000x1xf32, #tpu.memory_space<vmem>>, %arg4: memref<128x128xf32, #tpu.memory_space<vmem>>, %arg5: memref<128x128xf32, #tpu.memory_space<vmem>>, %arg6: memref<1x128xf32, #tpu.memory_space<vmem>>, %arg7: memref<8x128xf32, #tpu.memory_space<vmem>>, %arg8: memref<8x128xf32, #tpu.memory_space<vmem>>, %arg9: memref<8x128xf32, #tpu.memory_space<vmem>>, %arg10: memref<1x8xf32, #tpu.memory_space<vmem>>, %arg11: memref<1x8xf32, #tpu.memory_space<vmem>>, %arg12: memref<1x8xf32, #tpu.memory_space<vmem>>, %arg13: memref<1x1x1000xi32, #tpu.memory_space<vmem>>, %arg14: memref<1x128xf32, #tpu.memory_space<vmem>>, %arg15: memref<1x1xf32, #tpu.memory_space<vmem>>, %arg16: memref<1000x8xf32, #tpu.memory_space<vmem>>, %arg17: memref<64x1xf32, #tpu.memory_space<vmem>>, %arg18: memref<64x128xf32, #tpu.memory_space<vmem>>, %arg19: memref<64x1xf32, #tpu.memory_space<vmem>>) attributes {dimension_semantics = [#tpu.dimension_semantics<arbitrary>], iteration_bounds = array<i64: 10>, scalar_prefetch = 0 : i64, scratch_operands = 2 : i64, tpu.core_type = #tpu.core_type<tc>, window_params = [{transform_indices = @transform_0, window_bounds = array<i64: 1000, 128>}, {transform_indices = @transform_1, window_bounds = array<i64: 2, 1000, 128>}, {transform_indices = @transform_2, window_bounds = array<i64: 2, 1000, 1>}, {pipeline_mode = #tpu.pipeline_mode<synchronous>, transform_indices = @transform_3, window_bounds = array<i64: 128, 128>}, {pipeline_mode = #tpu.pipeline_mode<synchronous>, transform_indices = @transform_4, window_bounds = array<i64: 128, 128>}, {pipeline_mode = #tpu.pipeline_mode<synchronous>, transform_indices = @transform_5, window_bounds = array<i64: 1, 128>}, {pipeline_mode = #tpu.pipeline_mode<synchronous>, transform_indices = @transform_6, window_bounds = array<i64: 8, 128>}, {pipeline_mode = #tpu.pipeline_mode<synchronous>, transform_indices = @transform_7, window_bounds = array<i64: 8, 128>}, {pipeline_mode = #tpu.pipeline_mode<synchronous>, transform_indices = @transform_8, window_bounds = array<i64: 8, 128>}, {pipeline_mode = #tpu.pipeline_mode<synchronous>, transform_indices = @transform_9, window_bounds = array<i64: 1, 8>}, {pipeline_mode = #tpu.pipeline_mode<synchronous>, transform_indices = @transform_10, window_bounds = array<i64: 1, 8>}, {pipeline_mode = #tpu.pipeline_mode<synchronous>, transform_indices = @transform_11, window_bounds = array<i64: 1, 8>}, {transform_indices = @transform_12, window_bounds = array<i64: 1, 1, 1000>}, {pipeline_mode = #tpu.pipeline_mode<synchronous>, transform_indices = @transform_13, window_bounds = array<i64: 1, 128>}, {pipeline_mode = #tpu.pipeline_mode<synchronous>, transform_indices = @transform_14, window_bounds = array<i64: 1, 1>}, {transform_indices = @transform_15, window_bounds = array<i64: 1000, 8>}, {pipeline_mode = #tpu.pipeline_mode<synchronous>, transform_indices = @transform_16, window_bounds = array<i64: 64, 1>}]} {
    %get3A = arith.constant 0 : index
    %get3A_0 = arith.constant 0 : index
    %get3A_1 = arith.constant 0 : index
    %get3A_2 = vector.load %arg2[%get3A, %get3A_0, %get3A_1] : memref<2x1000x128xf32, #tpu.memory_space<vmem>>, vector<1x1000x128xf32>
    %get3A_3 = vector.shape_cast %get3A_2 : vector<1x1000x128xf32> to vector<1000x128xf32>
    %get3A_4 = arith.constant 1 : index
    %get3A_5 = arith.constant 0 : index
    %get3A_6 = arith.constant 0 : index
    %get3A_7 = vector.load %arg2[%get3A_4, %get3A_5, %get3A_6] : memref<2x1000x128xf32, #tpu.memory_space<vmem>>, vector<1x1000x128xf32>
    %get3A_8 = vector.shape_cast %get3A_7 : vector<1x1000x128xf32> to vector<1000x128xf32>
    %add3A = arith.addf %get3A_3, %get3A_8 : vector<1000x128xf32>
    %get3A_9 = arith.constant 0 : index
    %get3A_10 = arith.constant 0 : index
    %get3A_11 = arith.constant 0 : index
    %get3A_12 = vector.load %arg3[%get3A_9, %get3A_10, %get3A_11] : memref<2x1000x1xf32, #tpu.memory_space<vmem>>, vector<2x1000x1xf32>
    %reduce_sum3A = arith.constant dense<0.000000e+00> : vector<1000x1xf32>
    %reduce_sum3A_13 = vector.multi_reduction <add>, %get3A_12, %reduce_sum3A [0] : vector<2x1000x1xf32> to vector<1000x1xf32>
    %max3A = arith.constant 1.000000e+00 : f32
    %max3A_14 = vector.broadcast %max3A : f32 to vector<1000x1xf32>
    %max3A_15 = arith.maximumf %reduce_sum3A_13, %max3A_14 : vector<1000x1xf32>
    %div3A = vector.broadcast %max3A_15 : vector<1000x1xf32> to vector<1000x128xf32>
    %div3A_16 = arith.divf %add3A, %div3A : vector<1000x128xf32>
    %get3A_17 = arith.constant 0 : index
    %get3A_18 = arith.constant 0 : index
    %get3A_19 = vector.load %arg1[%get3A_17, %get3A_18] : memref<1000x128xf32, #tpu.memory_space<vmem>>, vector<1000x128xf32>
    %convert_element_type3A = arith.truncf %get3A_19 : vector<1000x128xf32> to vector<1000x128xbf16>
    %convert_element_type3A_20 = arith.extf %convert_element_type3A : vector<1000x128xbf16> to vector<1000x128xf32>
    %get3A_21 = arith.constant 0 : index
    %get3A_22 = arith.constant 0 : index
    %get3A_23 = vector.load %arg4[%get3A_21, %get3A_22] : memref<128x128xf32, #tpu.memory_space<vmem>>, vector<128x128xf32>
    %convert_element_type3A_24 = arith.truncf %get3A_23 : vector<128x128xf32> to vector<128x128xbf16>
    %convert_element_type3A_25 = arith.extf %convert_element_type3A_24 : vector<128x128xbf16> to vector<128x128xf32>
    %dot_general3A = arith.constant dense<0.000000e+00> : vector<1000x128xf32>
    %dot_general3A_26 = tpu.matmul %convert_element_type3A_20, %convert_element_type3A_25, %dot_general3A {dimension_numbers = #tpu.dot_dimension_numbers<[1], [1], [0], [0], [0, 0, 1, 0], [], []>, transpose_lhs_hint = false} : vector<1000x128xf32>, vector<128x128xf32>, vector<1000x128xf32> -> vector<1000x128xf32>
    %convert_element_type3A_27 = arith.truncf %div3A_16 : vector<1000x128xf32> to vector<1000x128xbf16>
    %convert_element_type3A_28 = arith.extf %convert_element_type3A_27 : vector<1000x128xbf16> to vector<1000x128xf32>
    %get3A_29 = arith.constant 0 : index
    %get3A_30 = arith.constant 0 : index
    %get3A_31 = vector.load %arg5[%get3A_29, %get3A_30] : memref<128x128xf32, #tpu.memory_space<vmem>>, vector<128x128xf32>
    %convert_element_type3A_32 = arith.truncf %get3A_31 : vector<128x128xf32> to vector<128x128xbf16>
    %convert_element_type3A_33 = arith.extf %convert_element_type3A_32 : vector<128x128xbf16> to vector<128x128xf32>
    %dot_general3A_34 = arith.constant dense<0.000000e+00> : vector<1000x128xf32>
    %dot_general3A_35 = tpu.matmul %convert_element_type3A_28, %convert_element_type3A_33, %dot_general3A_34 {dimension_numbers = #tpu.dot_dimension_numbers<[1], [1], [0], [0], [0, 0, 1, 0], [], []>, transpose_lhs_hint = false} : vector<1000x128xf32>, vector<128x128xf32>, vector<1000x128xf32> -> vector<1000x128xf32>
    %add3A_36 = arith.addf %dot_general3A_26, %dot_general3A_35 : vector<1000x128xf32>
    %get3A_37 = arith.constant 0 : index
    %get3A_38 = arith.constant 0 : index
    %get3A_39 = vector.load %arg6[%get3A_37, %get3A_38] : memref<1x128xf32, #tpu.memory_space<vmem>>, vector<1x128xf32>
    %add3A_40 = vector.broadcast %get3A_39 : vector<1x128xf32> to vector<1000x128xf32>
    %add3A_41 = arith.addf %add3A_36, %add3A_40 : vector<1000x128xf32>
    %max3A_42 = arith.constant 0.000000e+00 : f32
    %max3A_43 = vector.broadcast %max3A_42 : f32 to vector<1000x128xf32>
    %max3A_44 = arith.maximumf %add3A_41, %max3A_43 : vector<1000x128xf32>
    %get3A_45 = arith.constant 0 : index
    %get3A_46 = arith.constant 0 : index
    %get3A_47 = vector.load %arg7[%get3A_45, %get3A_46] : memref<8x128xf32, #tpu.memory_space<vmem>>, vector<8x128xf32>
    %get3A_48 = arith.constant 0 : index
    %get3A_49 = arith.constant 0 : index
    %get3A_50 = vector.load %arg8[%get3A_48, %get3A_49] : memref<8x128xf32, #tpu.memory_space<vmem>>, vector<8x128xf32>
    %get3A_51 = arith.constant 0 : index
    %get3A_52 = arith.constant 0 : index
    %get3A_53 = vector.load %arg9[%get3A_51, %get3A_52] : memref<8x128xf32, #tpu.memory_space<vmem>>, vector<8x128xf32>
    %mul3A = arith.mulf %get3A_50, %get3A_53 : vector<8x128xf32>
    %add3A_54 = arith.addf %get3A_47, %mul3A : vector<8x128xf32>
    %get3A_55 = arith.constant 0 : index
    %get3A_56 = arith.constant 0 : index
    %get3A_57 = vector.load %arg10[%get3A_55, %get3A_56] : memref<1x8xf32, #tpu.memory_space<vmem>>, vector<1x8xf32>
    %get3A_58 = arith.constant 0 : index
    %get3A_59 = arith.constant 0 : index
    %get3A_60 = vector.load %arg11[%get3A_58, %get3A_59] : memref<1x8xf32, #tpu.memory_space<vmem>>, vector<1x8xf32>
    %get3A_61 = arith.constant 0 : index
    %get3A_62 = arith.constant 0 : index
    %get3A_63 = vector.load %arg12[%get3A_61, %get3A_62] : memref<1x8xf32, #tpu.memory_space<vmem>>, vector<1x8xf32>
    %mul3A_64 = arith.mulf %get3A_60, %get3A_63 : vector<1x8xf32>
    %add3A_65 = arith.addf %get3A_57, %mul3A_64 : vector<1x8xf32>
    %convert_element_type3A_66 = arith.truncf %max3A_44 : vector<1000x128xf32> to vector<1000x128xbf16>
    %convert_element_type3A_67 = arith.extf %convert_element_type3A_66 : vector<1000x128xbf16> to vector<1000x128xf32>
    %convert_element_type3A_68 = arith.truncf %add3A_54 : vector<8x128xf32> to vector<8x128xbf16>
    %convert_element_type3A_69 = arith.extf %convert_element_type3A_68 : vector<8x128xbf16> to vector<8x128xf32>
    %dot_general3A_70 = arith.constant dense<0.000000e+00> : vector<1000x8xf32>
    %dot_general3A_71 = tpu.matmul %convert_element_type3A_67, %convert_element_type3A_69, %dot_general3A_70 {dimension_numbers = #tpu.dot_dimension_numbers<[1], [1], [0], [0], [0, 0, 1, 0], [], []>, transpose_lhs_hint = false} : vector<1000x128xf32>, vector<8x128xf32>, vector<1000x8xf32> -> vector<1000x8xf32>
    %add3A_72 = vector.broadcast %add3A_65 : vector<1x8xf32> to vector<1000x8xf32>
    %add3A_73 = arith.addf %dot_general3A_71, %add3A_72 : vector<1000x8xf32>
    %swap3A = arith.constant 0 : index
    %swap3A_74 = arith.constant 0 : index
    %swap3A_75 = vector.load %arg16[%swap3A, %swap3A_74] : memref<1000x8xf32, #tpu.memory_space<vmem>>, vector<1000x8xf32>
    tpu.vector_store %arg16[%swap3A, %swap3A_74], %add3A_73 {strides = array<i32>} : memref<1000x8xf32, #tpu.memory_space<vmem>>, vector<1000x8xf32>,
    %get3A_76 = arith.constant 0 : index
    %get3A_77 = arith.constant 0 : index
    %get3A_78 = arith.constant 0 : index
    %get3A_79 = vector.load %arg13[%get3A_76, %get3A_77, %get3A_78] : memref<1x1x1000xi32, #tpu.memory_space<vmem>>, vector<1x1x1000xi32>
    %get3A_80 = vector.shape_cast %get3A_79 : vector<1x1x1000xi32> to vector<1x1000xi32>
    %iota3A = tpu.iota {dimensions = array<i32: 0>} : vector<64x1000xi32>
    %broadcast_in_dim3A = vector.shape_cast %get3A_80 : vector<1x1000xi32> to vector<1x1000xi32>
    %broadcast_in_dim3A_81 = vector.broadcast %broadcast_in_dim3A : vector<1x1000xi32> to vector<64x1000xi32>
    %eq3A = arith.cmpi eq, %iota3A, %broadcast_in_dim3A_81 : vector<64x1000xi32>
    %convert_element_type3A_82 = arith.extui %eq3A : vector<64x1000xi1> to vector<64x1000xi32>
    %convert_element_type3A_83 = arith.sitofp %convert_element_type3A_82 : vector<64x1000xi32> to vector<64x1000xf32>
    %eq3A_84 = arith.constant 0 : i32
    %eq3A_85 = arith.cmpi eq, %arg0, %eq3A_84 : i32
    %convert_element_type3A_86 = arith.extui %eq3A_85 : i1 to i32
    %cond3A = arith.constant 0 : i32
    %cond3A_87 = arith.cmpi ne, %convert_element_type3A_86, %cond3A : i32
    scf.if %cond3A_87 {
      %broadcast_in_dim3A_112 = arith.constant 0.000000e+00 : f32
      %broadcast_in_dim3A_113 = vector.broadcast %broadcast_in_dim3A_112 : f32 to vector<64x128xf32>
      %swap3A_114 = arith.constant 0 : index
      %swap3A_115 = arith.constant 0 : index
      %swap3A_116 = vector.load %arg18[%swap3A_114, %swap3A_115] : memref<64x128xf32, #tpu.memory_space<vmem>>, vector<64x128xf32>
      tpu.vector_store %arg18[%swap3A_114, %swap3A_115], %broadcast_in_dim3A_113 {strides = array<i32>} : memref<64x128xf32, #tpu.memory_space<vmem>>, vector<64x128xf32>,
      %broadcast_in_dim3A_117 = arith.constant 0.000000e+00 : f32
      %broadcast_in_dim3A_118 = vector.broadcast %broadcast_in_dim3A_117 : f32 to vector<64x1xf32>
      %swap3A_119 = arith.constant 0 : index
      %swap3A_120 = arith.constant 0 : index
      %swap3A_121 = vector.load %arg19[%swap3A_119, %swap3A_120] : memref<64x1xf32, #tpu.memory_space<vmem>>, vector<64x1xf32>
      tpu.vector_store %arg19[%swap3A_119, %swap3A_120], %broadcast_in_dim3A_118 {strides = array<i32>} : memref<64x1xf32, #tpu.memory_space<vmem>>, vector<64x1xf32>,
    } else {
    }
    %get3A_88 = arith.constant 0 : index
    %get3A_89 = arith.constant 0 : index
    %get3A_90 = vector.load %arg18[%get3A_88, %get3A_89] : memref<64x128xf32, #tpu.memory_space<vmem>>, vector<64x128xf32>
    %dot_general3A_91 = arith.constant dense<0.000000e+00> : vector<64x128xf32>
    %dot_general3A_92 = tpu.matmul %convert_element_type3A_83, %max3A_44, %dot_general3A_91 {dimension_numbers = #tpu.dot_dimension_numbers<[1], [0], [0], [1], [0, 0, 1, 1], [], []>, precision = #tpu.contract_precision<fp32>, transpose_lhs_hint = false} : vector<64x1000xf32>, vector<1000x128xf32>, vector<64x128xf32> -> vector<64x128xf32>
    %add3A_93 = arith.addf %get3A_90, %dot_general3A_92 : vector<64x128xf32>
    %swap3A_94 = arith.constant 0 : index
    %swap3A_95 = arith.constant 0 : index
    %swap3A_96 = vector.load %arg18[%swap3A_94, %swap3A_95] : memref<64x128xf32, #tpu.memory_space<vmem>>, vector<64x128xf32>
    tpu.vector_store %arg18[%swap3A_94, %swap3A_95], %add3A_93 {strides = array<i32>} : memref<64x128xf32, #tpu.memory_space<vmem>>, vector<64x128xf32>,
    %get3A_97 = arith.constant 0 : index
    %get3A_98 = arith.constant 0 : index
    %get3A_99 = vector.load %arg19[%get3A_97, %get3A_98] : memref<64x1xf32, #tpu.memory_space<vmem>>, vector<64x1xf32>
    %reduce_sum3A_100 = arith.constant dense<0.000000e+00> : vector<64xf32>
    %reduce_sum3A_101 = vector.multi_reduction <add>, %convert_element_type3A_83, %reduce_sum3A_100 [1] : vector<64x1000xf32> to vector<64xf32>
    %broadcast_in_dim3A_102 = vector.shape_cast %reduce_sum3A_101 : vector<64xf32> to vector<64x1xf32>
    %add3A_103 = arith.addf %get3A_99, %broadcast_in_dim3A_102 : vector<64x1xf32>
    %swap3A_104 = arith.constant 0 : index
    %swap3A_105 = arith.constant 0 : index
    %swap3A_106 = vector.load %arg19[%swap3A_104, %swap3A_105] : memref<64x1xf32, #tpu.memory_space<vmem>>, vector<64x1xf32>
    tpu.vector_store %arg19[%swap3A_104, %swap3A_105], %add3A_103 {strides = array<i32>} : memref<64x1xf32, #tpu.memory_space<vmem>>, vector<64x1xf32>,
    %eq3A_107 = arith.constant 9 : i32
    %eq3A_108 = arith.cmpi eq, %arg0, %eq3A_107 : i32
    %convert_element_type3A_109 = arith.extui %eq3A_108 : i1 to i32
    %cond3A_110 = arith.constant 0 : i32
    %cond3A_111 = arith.cmpi ne, %convert_element_type3A_109, %cond3A_110 : i32
    scf.if %cond3A_111 {
      %get3A_112 = arith.constant 0 : index
      %get3A_113 = arith.constant 0 : index
      %get3A_114 = vector.load %arg18[%get3A_112, %get3A_113] : memref<64x128xf32, #tpu.memory_space<vmem>>, vector<64x128xf32>
      %get3A_115 = arith.constant 0 : index
      %get3A_116 = arith.constant 0 : index
      %get3A_117 = vector.load %arg19[%get3A_115, %get3A_116] : memref<64x1xf32, #tpu.memory_space<vmem>>, vector<64x1xf32>
      %max3A_118 = arith.constant 1.000000e+00 : f32
      %max3A_119 = vector.broadcast %max3A_118 : f32 to vector<64x1xf32>
      %max3A_120 = arith.maximumf %get3A_117, %max3A_119 : vector<64x1xf32>
      %div3A_121 = vector.broadcast %max3A_120 : vector<64x1xf32> to vector<64x128xf32>
      %div3A_122 = arith.divf %get3A_114, %div3A_121 : vector<64x128xf32>
      %convert_element_type3A_123 = arith.truncf %div3A_122 : vector<64x128xf32> to vector<64x128xbf16>
      %convert_element_type3A_124 = arith.extf %convert_element_type3A_123 : vector<64x128xbf16> to vector<64x128xf32>
      %get3A_125 = arith.constant 0 : index
      %get3A_126 = arith.constant 0 : index
      %get3A_127 = vector.load %arg14[%get3A_125, %get3A_126] : memref<1x128xf32, #tpu.memory_space<vmem>>, vector<1x128xf32>
      %convert_element_type3A_128 = arith.truncf %get3A_127 : vector<1x128xf32> to vector<1x128xbf16>
      %convert_element_type3A_129 = arith.extf %convert_element_type3A_128 : vector<1x128xbf16> to vector<1x128xf32>
      %mul3A_130 = vector.broadcast %convert_element_type3A_129 : vector<1x128xf32> to vector<64x128xf32>
      %mul3A_131 = arith.mulf %convert_element_type3A_124, %mul3A_130 : vector<64x128xf32>
      %reduce_sum3A_132 = arith.constant dense<0.000000e+00> : vector<64xf32>
      %reduce_sum3A_133 = vector.multi_reduction <add>, %mul3A_131, %reduce_sum3A_132 [1] : vector<64x128xf32> to vector<64xf32>
      %broadcast_in_dim3A_134 = vector.shape_cast %reduce_sum3A_133 : vector<64xf32> to vector<64x1xf32>
      %get3A_135 = arith.constant 0 : index
      %get3A_136 = arith.constant 0 : index
      %get3A_137 = vector.load %arg15[%get3A_135, %get3A_136] : memref<1x1xf32, #tpu.memory_space<vmem>>, vector<1x1xf32>
      %get3A_138 = vector.extract %get3A_137[0, 0] : f32 from vector<1x1xf32>
      %add3A_139 = vector.broadcast %get3A_138 : f32 to vector<64x1xf32>
      %add3A_140 = arith.addf %broadcast_in_dim3A_134, %add3A_139 : vector<64x1xf32>
      %swap3A_141 = arith.constant 0 : index
      %swap3A_142 = arith.constant 0 : index
      %swap3A_143 = vector.load %arg17[%swap3A_141, %swap3A_142] : memref<64x1xf32, #tpu.memory_space<vmem>>, vector<64x1xf32>
      tpu.vector_store %arg17[%swap3A_141, %swap3A_142], %add3A_140 {strides = array<i32>} : memref<64x1xf32, #tpu.memory_space<vmem>>, vector<64x1xf32>,
    } else {
    }
    return
  }
  func.func @transform_0(%arg0: i32) -> (i32, i32) {
    %c0_i32 = arith.constant 0 : i32
    %c0_i32_0 = arith.constant 0 : i32
    return %arg0, %c0_i32 : i32, i32
  }
  func.func @transform_1(%arg0: i32) -> (i32, i32, i32) {
    %c0_i32 = arith.constant 0 : i32
    %c0_i32_0 = arith.constant 0 : i32
    %c0_i32_1 = arith.constant 0 : i32
    return %c0_i32, %arg0, %c0_i32_0 : i32, i32, i32
  }
  func.func @transform_2(%arg0: i32) -> (i32, i32, i32) {
    %c0_i32 = arith.constant 0 : i32
    %c0_i32_0 = arith.constant 0 : i32
    %c0_i32_1 = arith.constant 0 : i32
    return %c0_i32, %arg0, %c0_i32_0 : i32, i32, i32
  }
  func.func @transform_3(%arg0: i32) -> (i32, i32) {
    %c0_i32 = arith.constant 0 : i32
    %c0_i32_0 = arith.constant 0 : i32
    %c0_i32_1 = arith.constant 0 : i32
    return %c0_i32, %c0_i32_0 : i32, i32
  }
  func.func @transform_4(%arg0: i32) -> (i32, i32) {
    %c0_i32 = arith.constant 0 : i32
    %c0_i32_0 = arith.constant 0 : i32
    %c0_i32_1 = arith.constant 0 : i32
    return %c0_i32, %c0_i32_0 : i32, i32
  }
  func.func @transform_5(%arg0: i32) -> (i32, i32) {
    %c0_i32 = arith.constant 0 : i32
    %c0_i32_0 = arith.constant 0 : i32
    %c0_i32_1 = arith.constant 0 : i32
    return %c0_i32, %c0_i32_0 : i32, i32
  }
  func.func @transform_6(%arg0: i32) -> (i32, i32) {
    %c0_i32 = arith.constant 0 : i32
    %c0_i32_0 = arith.constant 0 : i32
    %c0_i32_1 = arith.constant 0 : i32
    return %c0_i32, %c0_i32_0 : i32, i32
  }
  func.func @transform_7(%arg0: i32) -> (i32, i32) {
    %c0_i32 = arith.constant 0 : i32
    %c0_i32_0 = arith.constant 0 : i32
    %c0_i32_1 = arith.constant 0 : i32
    return %c0_i32, %c0_i32_0 : i32, i32
  }
  func.func @transform_8(%arg0: i32) -> (i32, i32) {
    %c0_i32 = arith.constant 0 : i32
    %c0_i32_0 = arith.constant 0 : i32
    %c0_i32_1 = arith.constant 0 : i32
    return %c0_i32, %c0_i32_0 : i32, i32
  }
  func.func @transform_9(%arg0: i32) -> (i32, i32) {
    %c0_i32 = arith.constant 0 : i32
    %c0_i32_0 = arith.constant 0 : i32
    %c0_i32_1 = arith.constant 0 : i32
    return %c0_i32, %c0_i32_0 : i32, i32
  }
  func.func @transform_10(%arg0: i32) -> (i32, i32) {
    %c0_i32 = arith.constant 0 : i32
    %c0_i32_0 = arith.constant 0 : i32
    %c0_i32_1 = arith.constant 0 : i32
    return %c0_i32, %c0_i32_0 : i32, i32
  }
  func.func @transform_11(%arg0: i32) -> (i32, i32) {
    %c0_i32 = arith.constant 0 : i32
    %c0_i32_0 = arith.constant 0 : i32
    %c0_i32_1 = arith.constant 0 : i32
    return %c0_i32, %c0_i32_0 : i32, i32
  }
  func.func @transform_12(%arg0: i32) -> (i32, i32, i32) {
    %c0_i32 = arith.constant 0 : i32
    %c0_i32_0 = arith.constant 0 : i32
    %c0_i32_1 = arith.constant 0 : i32
    return %arg0, %c0_i32, %c0_i32_0 : i32, i32, i32
  }
  func.func @transform_13(%arg0: i32) -> (i32, i32) {
    %c0_i32 = arith.constant 0 : i32
    %c0_i32_0 = arith.constant 0 : i32
    %c0_i32_1 = arith.constant 0 : i32
    return %c0_i32, %c0_i32_0 : i32, i32
  }
  func.func @transform_14(%arg0: i32) -> (i32, i32) {
    %c0_i32 = arith.constant 0 : i32
    %c0_i32_0 = arith.constant 0 : i32
    %c0_i32_1 = arith.constant 0 : i32
    return %c0_i32, %c0_i32_0 : i32, i32
  }
  func.func @transform_15(%arg0: i32) -> (i32, i32) {
    %c0_i32 = arith.constant 0 : i32
    %c0_i32_0 = arith.constant 0 : i32
    return %arg0, %c0_i32 : i32, i32
  }
  func.func @transform_16(%arg0: i32) -> (i32, i32) {
    %c0_i32 = arith.constant 0 : i32
    %c0_i32_0 = arith.constant 0 : i32
    %c0_i32_1 = arith.constant 0 : i32
    return %c0_i32, %c0_i32_0 : i32, i32
  }
}

</mosaic_0001>

<sc_bundles>
// kernel: kernel.6.cloned.1.call-start
scs
__scs_entry_jumppad:
0x0: {  	(pc) =	sbr.rel $0x88, $3  }
0x1: {  	(tag) =	ssettag $0x0;
	lr =	simm.s32 $0x1  }
0x2: {  	[smem:$0x3F90] =	sst lr;
	_ =	strace $0xD0000000  }
0x3: {  	_ = 	snop  }
0x4: {  	_ = 	snop  }
0x5: {  	_ = 	snop  }
0x6: {  	_ = 	snop  }
0x7: {  	_ = 	snop  }
__scs_overlays_trampoline_lowered:
0x8: {  	[smem:$0x3F9F] =	sst s0  }
0x9: {  	[smem:$0x3FA0] =	sst s1  }
0xa: {  	[smem:$0x3FA1] =	sst s2  }
0xb: {  	[smem:$0x3FA2] =	sst s3  }
0xc: {  	[smem:$0x3FA3] =	sst s4  }
0xd: {  	[smem:$0x3FA4] =	sst s5  }
0xe: {  	[smem:$0x3FA5] =	sst s6  }
0xf: {  	[smem:$0x3FA6] =	sst s7  }
0x10: {  	[smem:$0x3FA7] =	sst s8  }
0x11: {  	[smem:$0x3FA8] =	sst s9;
	s0 =	simm.s32 @!p0 $0x0  }
0x12: {  	s1 =	sld [smem:$0x3F8E];
	s0 =	simm.s32 @p0 $0x1  }
0x13: {  	[smem:$0x3FA9] =	sst s0;
	s0 =	simm.s32 @!p1 $0x0  }
0x14: {  	s2 =	sld [smem:$0x3F8D];
	s0 =	simm.s32 @p1 $0x1  }
0x15: {  	[smem:$0x3FAA] =	sst s0;
	s0 =	simm.s32 @!p2 $0x0  }
0x16: {  	s3 =	sld [smem:$0x3FDB];
	s0 =	simm.s32 @p2 $0x1  }
0x17: {  	s4 =	simm.s32 $0x1BF5;
	[smem:$0x3FAC] =	sst s0  }
0x18: {  	s0 =	sld [smem:$0x3F8F];
	_ =	swait.ge [sflag:s4], $0x0  }
0x19: {  	s7 =	sld [smem:$0x3F90]  }
0x1a: {  	s8 =	sadd.s32 $0xFFFFE003, lr  }
0x1b: {  	s9 =	sadd.s32 $0xFFFFFEF7, lr;
	s5 =	simm.s32 $0xFFFFFFFF;
	p2 =	slt.u32 s8, $0xFFFFF086  }
0x1c: {  	p1 =	slt.u32 s9, $0xF7A;
	s5 =	simm.s32 @!p2 $0x0  }
0x1d: {  	s5 =	simm.s32 @p1 $0x1;
	p0 =	seq.s32 s7, s2  }
0x1e: {  	s7 =	smul.u32 @!p0 $0xF7A, s2;
	p2 =	seq.s32 @!p0 s5, $0x0  }
0x1f: {  	s9 =	smul.u32 $0xF7A, s1;
	s8 =	simm.s32 @!p0 $0x1BF5;
	p2 =	por !p2, p0  }
0x20: {  	[sflag:s8] =	ssyncset.s32 @!p0 $0xFFFFF086;
	s6 =	sadd.s32 @!p0 s3, s7;
	s7 =	simm.s32 @!p0 $0x108  }
0x21: {  	s3 =	sadd.s32 s3, s9;
	s6 =	sadd.s32 @!p0 $0x88, s6;
	s7 =	simm.s32 @p2 $0x1082  }
0x22: {  	[simem:s7], [sflag:s8] =	dma.local @!p0 [hbm:s6], $0xF7A  }
0x23: {  	s9 =	sor.u32 $0xD0000000, s2;
	s6 =	simm.s32 $0x108;
	_ =	swait.ge @!p0 [sflag:s8], $0x0  }
0x24: {  	s3 =	sadd.s32 $0x88, s3;
	s6 =	simm.s32 @!p1 $0x1082;
	[sflag:s4] =	ssyncset.s32 $0xFFFFF086  }
0x25: {  	[simem:s6], [sflag:s4] =	dma.local [hbm:s3], $0xF7A  }
0x26: {  	[smem:$0x3F90] =	sst s1;
	(tag) =	ssettag s2;
	_ =	strace s9  }
0x27: {  	s1 =	sld [smem:$0x3FA0]  }
0x28: {  	s2 =	sld [smem:$0x3FA1]  }
0x29: {  	s4 =	sld [smem:$0x3FA3]  }
0x2a: {  	p0 =	seq.s32 s5, $0x0;
	s5 =	sld [smem:$0x3FA4]  }
0x2b: {  	s6 =	sld [smem:$0x3FA5]  }
0x2c: {  	s7 =	sld [smem:$0x3FA6]  }
0x2d: {  	s3 =	simm.s32 $0x108;
	s8 =	sld [smem:$0x3FA7]  }
0x2e: {  	s3 =	simm.s32 @!p0 $0x1082;
	s9 =	sld [smem:$0x3FA8]  }
0x2f: {  	lr =	sadd.s32 s0, s3;
	s0 =	sld [smem:$0x3F9F]  }
0x30: {  	s3 =	sld [smem:$0x3FA2]  }
0x31: {  	[smem:$0x3FAB] =	sst s10  }
0x32: {  	s10 =	sld [smem:$0x3FA9];
	_ =	sdelay $0x3  }
0x33: {  	p0 =	seq.s32 s10, $0x1;
	s10 =	sld [smem:$0x3FAB];
	_ =	sdelay $0x3  }
0x34: {  	[smem:$0x3FAB] =	sst s10  }
0x35: {  	s10 =	sld [smem:$0x3FAA];
	_ =	sdelay $0x3  }
0x36: {  	p1 =	seq.s32 s10, $0x1;
	s10 =	sld [smem:$0x3FAB];
	_ =	sdelay $0x3  }
0x37: {  	[smem:$0x3FAB] =	sst s10  }
0x38: {  	s10 =	sld [smem:$0x3FAC]  }
0x39: {  	_ = 	snop;
	(pc) =	sbr.ind lr, $3  }
0x3a: {  	_ = 	snop  }
0x3b: {  	_ = 	snop  }
0x3c: {  	p2 =	seq.s32 s10, $0x1;
	s10 =	sld [smem:$0x3FAB]  }
0x3d: {  	_ =	shalt  }
0x3e: {  	_ =	shalt  }
0x3f: {  	_ =	shalt  }
0x40: {  	_ =	shalt  }
0x41: {  	_ =	shalt  }
0x42: {  	_ =	shalt  }
0x43: {  	_ =	shalt  }
0x44: {  	_ =	shalt  }
0x45: {  	_ =	shalt  }
0x46: {  	_ =	shalt  }
0x47: {  	_ =	shalt  }
0x48: {  	_ =	shalt  }
0x49: {  	_ =	shalt  }
0x4a: {  	_ =	shalt  }
0x4b: {  	_ =	shalt  }
0x4c: {  	_ =	shalt  }
0x4d: {  	_ =	shalt  }
0x4e: {  	_ =	shalt  }
0x4f: {  	_ =	shalt  }
0x50: {  	_ =	shalt  }
0x51: {  	_ =	shalt  }
0x52: {  	_ =	shalt  }
0x53: {  	_ =	shalt  }
0x54: {  	_ =	shalt  }
0x55: {  	_ =	shalt  }
0x56: {  	_ =	shalt  }
0x57: {  	_ =	shalt  }
0x58: {  	_ =	shalt  }
0x59: {  	_ =	shalt  }
0x5a: {  	_ =	shalt  }
0x5b: {  	_ =	shalt  }
0x5c: {  	_ =	shalt  }
0x5d: {  	_ =	shalt  }
0x5e: {  	_ =	shalt  }
0x5f: {  	_ =	shalt  }
0x60: {  	_ =	shalt  }
0x61: {  	_ =	shalt  }
0x62: {  	_ =	shalt  }
0x63: {  	_ =	shalt  }
0x64: {  	_ =	shalt  }
0x65: {  	_ =	shalt  }
0x66: {  	_ =	shalt  }
0x67: {  	_ =	shalt  }
0x68: {  	_ =	shalt  }
0x69: {  	_ =	shalt  }
0x6a: {  	_ =	shalt  }
0x6b: {  	_ =	shalt  }
0x6c: {  	_ =	shalt  }
0x6d: {  	_ =	shalt  }
0x6e: {  	_ =	shalt  }
0x6f: {  	_ =	shalt  }
0x70: {  	_ =	shalt  }
0x71: {  	_ =	shalt  }
0x72: {  	_ =	shalt  }
0x73: {  	_ =	shalt  }
0x74: {  	_ =	shalt  }
0x75: {  	_ =	shalt  }
0x76: {  	_ =	shalt  }
0x77: {  	_ =	shalt  }
0x78: {  	_ =	shalt  }
0x79: {  	_ =	shalt  }
0x7a: {  	_ =	shalt  }
0x7b: {  	_ =	shalt  }
0x7c: {  	_ =	shalt  }
0x7d: {  	_ =	shalt  }
0x7e: {  	_ =	shalt  }
0x7f: {  	_ =	shalt  }
0x80: {  	_ =	shalt  }
0x81: {  	_ =	shalt  }
0x82: {  	_ =	shalt  }
0x83: {  	_ =	shalt  }
0x84: {  	_ =	shalt  }
0x85: {  	_ =	shalt  }
0x86: {  	_ =	shalt  }
0x87: {  	_ =	shalt  }
.Lfunc_end0:
.L_simem_size_0:
called_computation_lowered:
.L_overlay_start_0:
0x88: {  	s2 =	sld [smem:$0x3FD9]  }
0x89: {  	s3 =	sld [smem:$0x3FFE];
	_ =	sdelay $0x1  }
0x8a: {  	s1 =	srdreg.scid  }
0x8b: {  	s0 =	sand.u32 $0x1, s1  }
0x8c: {  	s14 =	sshll.u32 s0, $0xA;
	s2 =	sadd.s32 s3, s2  }
0x8d: {  	s2 =	sadd.s32 s2, s14  }
0x8e: {  	[smem:$0x3FB7] =	sst s2  }
0x8f: {  	_ = 	snop  }
0x90: {  	s2 =	sld [smem:$0x3FD0];
	_ =	sdelay $0x2  }
0x91: {  	s4 =	simm.s32 $0xA;
	s5 =	simm.s32 $0x10;
	s15 =	sld [smem:$0x3FC9]  }
0x92: {  	[smem:s5], [sflag:s4] =	dma.local [hbm:s2], $0x1  }
0x93: {  	_ =	swait.eq [sflag:s4], $0x1  }
0x94: {  	[sflag:s4] =	ssyncset.done $0x0  }
0x95: {  	[sflag:s4] =	ssyncadd.s32 $0xFFFFFFFF  }
0x96: {  	s16 =	sld [smem:$0x10];
	(tm) =	ssettm $0x1  }
0x97: {  	s17 =	sld [smem:$0x3FFB];
	_ =	sdelay $0x3  }
0x98: {  	_ =	strace s17  }
0x99: {  	s4 =	sld [smem:$0x3FFC];
	_ =	sdelay $0x3  }
0x9a: {  	_ =	strace s4  }
0x9b: {  	s4 =	sld [smem:$0x3FFD];
	_ =	sdelay $0x3  }
0x9c: {  	_ =	strace s4  }
0x9d: {  	_ =	strace $0x8FFFFFFF  }
0x9e: {  	s18 =	sld [smem:$0x3FDB];
	_ =	sdelay $0x1  }
0x9f: {  	s19 =	simm.s32 $_scs_section_size  }
0xa0: {  	s6 =	simm.s32 $_size__tile_overlayer_lowered;
	s7 =	simm.s32 $_tile_overlayer_lowered  }
0xa1: {  	s22 =	simm.s32 $0x1BFF;
	s21 =	sshll.u32 s7, $0x1;
	s4 =	sadd.s32 s19, s18  }
0xa2: {  	s8 =	simm.s32 $0x0;
	s20 =	sshll.u32 s6, $0x1;
	s6 =	sadd.s32 s21, s4  }
0xa3: {  	[timem:s8], [sflag:s22] =	dma.local [hbm:s6], s20  }
0xa4: {  	_ =	swait.ge [sflag:s22], s20  }
0xa5: {  	s5 =	ssub.s32 $0x0, s20;
	[sflag:s22] =	ssyncset.done $0x0  }
0xa6: {  	[sflag:s22] =	ssyncadd.s32 s5;
	_ =	sdelay $0x1  }
0xa7: {  	s23 =	simm.s32 $0x1B8B  }
0xa8: {  	_ =	swait.ge [sflag:s23], $0x1  }
0xa9: {  	[sflag:s23] =	ssyncset.done $0x0  }
0xaa: {  	s25 =	simm.s32 $0x1B8E;
	s24 =	sld [smem:$0x3FFE];
	[sflag:s23] =	ssyncadd.s32 $0xFFFFFFFF  }
0xab: {  	s26 =	simm.s32 $execute0_lowered;
	[smem:$0x3FD2] =	sst s25  }
0xac: {  	s6 =	sshll.u32 s26, $0x1;
	_ =	strace $0x80000046;
	[dreg:$0x1] =	wrdreg $0xFFFFFFFF  }
0xad: {  	s28 =	simm.s32 $_size_execute0_lowered;
	s4 =	sadd.s32 s4, s6;
	[dreg:$0x0] =	wrdreg $0x0  }
0xae: {  	s6 =	sshll.u32 s28, $0x1;
	[dreg:$0x2] =	wrdreg s4  }
0xaf: {  	[dreg:$0x3] =	wrdreg s6  }
0xb0: {  	[dreg:$0x4] =	wrdreg $0xC0  }
0xb1: {  	_ =	task [dreg:s8], $0x5FFFF  }
0xb2: {  	[dreg:$0x1] =	wrdreg $0xFFFFFFFF  }
0xb3: {  	[dreg:$0x0] =	wrdreg $0x60  }
0xb4: {  	[dreg:$0x2] =	wrdreg s15  }
0xb5: {  	[dreg:$0x3] =	wrdreg s24  }
0xb6: {  	[dreg:$0x4] =	wrdreg s16  }
0xb7: {  	[dreg:$0x5] =	wrdreg $0xA8000  }
0xb8: {  	[dreg:$0x6] =	wrdreg $0x1E8800  }
0xb9: {  	[dreg:$0x7] =	wrdreg $0x9  }
0xba: {  	_ =	task.clear_ibuf [dreg:s8], $0x8FFFF;
	_ =	strace $0x90000046  }
0xbb: {  	s29 =	simm.s32 $0x9;
	_ =	strace $0x80000048  }
0xbc: {  	_ =	swait.ge [sflag:s29], $0x1  }
0xbd: {  	[sflag:s29] =	ssyncadd.s32 $0xFFFFFFFF  }
0xbe: {  	_ =	strace $0x90000048  }
0xbf: {  	_ =	sfence  }
0xc0: {  	s30 =	sld [smem:$0x0];
	_ =	sdelay $0x2  }
0xc1: {  	s31 =	sshll.u32 s1, $0xD;
	s1 =	sshrl.u32 s1, $0x2  }
0xc2: {  	s3 =	sand.u32 $0x4000, s31;
	s1 =	sadd.s32 s1, s30  }
0xc3: {  	s0 =	sor.u32 s3, s0;
	s1 =	sshll.u32 s1, $0x11  }
0xc4: {  	s0 =	sor.u32 s1, s0  }
0xc5: {  	s0 =	sadd.s32 $0x8F2B, s0  }
0xc6: {  	[sflag:s0] =	ssyncadd.remote.s32 $0x1  }
0xc7: {  	_ =	sfence.sel $0xFFFF  }
0xc8: {  	[dreg:$0x0] =	wrdreg $0xFFFFFFFF;
	(pc) =	sbr.abs _section_cstart, $3  }
0xc9: {  	[dreg:$0x1] =	wrdreg $0xFFFFFFFF  }
0xca: {  	_ =	task.clear_ibuf [dreg:s8], $0x2FFFF;
	_ =	strace $0x9FFFFFFF  }
0xcb: {  	(tm) =	ssettm $0x7FFFFFFF  }
tec
execute0_lowered:
.L_overlay_start_1:
0x0: {  	(tag) =	ssettag $0x1  }
0x1: {  	s0 =	rddreg [dreg:$0x0]  }
0x2: {  	s7 =	rddreg [dreg:$0x1]  }
0x3: {  	s11 =	rddreg [dreg:$0x2]  }
0x4: {  	s2 =	rddreg [dreg:$0x3]  }
0x5: {  	s3 =	rddreg [dreg:$0x4]  }
0x6: {  	s4 =	srdreg.scid;
	s1 =	rddreg [dreg:$0x5]  }
0x7: {  	s13 =	stileid.u32;
	s18 =	simm.s32 $0x8000;
	s19 =	simm.s32 $0x1E800  }
0x8: {  	s20 =	simm.s32 $0x0;
	s10 =	sand.u32 $0x1, s4;
	s9 =	smul.u32 $0x14000, s13  }
0x9: {  	s4 =	simm.s32 $0x0;
	s8 =	sshll.u32 s13, $0xB;
	s28 =	smul.u32 $0x50000, s13  }
0xa: {  	s15 =	sshll.u32 s13, $0x6;
	p0 =	sne.s32 s13, $0x0;
	s5 =	smul.u32 $0x140000, s10  }
0xb: {  	s6 =	sshll.u32 s10, $0xF;
	[smem:$0x7FF] =	sst s4;
	s29 =	ssub.s32 $0x2, s10  }
0xc: {  	s31 =	sshll.u32 s10, $0x4;
	s6 =	sor.u32 s8, s6;
	_ =	strace $0x80000047  }
0xd: {  	s30 =	sshrl.u32 s29, $0x1;
	s11 =	sadd.s32 s11, s31;
	s12 =	sadd.s32 s6, s7  }
0xe: {  	s25 =	sadd.s32 s9, s5;
	s5 =	sadd.s32 $0x23800, s7;
	s6 =	sadd.s32 $0x23200, s7  }
0xf: {  	s9 =	sshrl.u32 s28, $0x2;
	s16 =	ssub.s32 s29, s30;
	s26 =	sshrl.u32 s25, $0x3  }
0x10: {  	s17 =	sadd.s32 s9, s2;
	s8 =	sadd.s32 $0x13200, s12;
	s9 =	sadd.s32 $0x3200, s12  }
0x11: {  	s12 =	smax.u32 s16, $0x1;
	s16 =	simm.s32 $0x4000;
	s14 =	sadd.s32 s26, s7  }
0x12: {  	s7 =	sor.u32 $0x1C01, s15;
	s13 =	sshrl.u32 s17, $0x3;
	s15 =	sshrl.u32 @!p0 s3, $0x3  }
0x13: {  	v0 =	vimm.f32 $1.000000000e+00;
	s17 =	simm.s32 $0x50;
	s10 =	sadd.s32 $0x26000, s14;
	s14 =	simm.s32 $0x1  }
.LBB2_1:
0x14: {  	[spmem:s13], [sflag:s7] =	dma.local [hbm:s5], $0x2800  }
0x15: {  	_ =	swait.ge [sflag:s14], $0x2800  }
0x16: {  	[sflag:s14] =	ssyncset.done $0x0  }
0x17: {  	[sflag:s14] =	ssyncadd.s32 $0xFFFFD800  }
0x18: {  	[tilespmem:$0x1E800] =	vst v0  }
0x19: {  	[tilespmem:$0x1E810] =	vst v0  }
0x1a: {  	[tilespmem:$0x1E820] =	vst v0  }
0x1b: {  	[tilespmem:$0x1E830] =	vst v0  }
0x1c: {  	s21 =	simm.s32 @!p0 $0x1;
	[tilespmem:$0x1E840] =	vst v0  }
0x1d: {  	[spmem:s15], [sflag:s7] =	dma.local @!p0 [hbm:s6], $0x500  }
0x1e: {  	_ =	swait.ge @!p0 [sflag:s21], $0x500  }
0x1f: {  	[sflag:s21] =	ssyncset.done @!p0 $0x0  }
0x20: {  	[sflag:s21] =	ssyncadd.s32 @!p0 $0xFFFFFB00  }
0x21: {  	[bflag:$0x0] =	sbarrier.arrive $0xFFFF  }
0x22: {  	[tilespmem:s4], [sflag:$0x1] =	stream.linear.gather [hbm4b:s8+s4], $0x3E80, $0x38;
	[tilespmem:$0x1EB00] =	vst v63  }
0x23: {  	_ =	swait.ge [sflag:s14], $0x3E80  }
0x24: {  	[sflag:s14] =	ssyncset.done $0x0  }
0x25: {  	[sflag:s14] =	ssyncadd.s32 $0xFFFFC180  }
0x26: {  	[tilespmem:s16], [sflag:$0x1] =	stream.linear.gather [hbm4b:s9+s4], $0x3E80, $0x38;
	[tilespmem:$0x1EB00] =	vst v63  }
0x27: {  	_ =	swait.ge [sflag:s14], $0x3E80  }
0x28: {  	[sflag:s14] =	ssyncset.done $0x0  }
0x29: {  	s30 =	simm.s32 $0x0;
	[sflag:s14] =	ssyncadd.s32 $0xFFFFC180  }
0x2a: {  	[tilespmem:s18], [sflag:$0x1] =	stream.indirect.gather [hbm4b:s0+s17], $0x80, s30, s17, $0xb8;
	[tilespmem:$0x1EB00] =	vst v63  }
0x2b: {  	_ =	swait.ge [sflag:s14], $0x2800  }
0x2c: {  	[sflag:s14] =	ssyncset.done $0x0  }
0x2d: {  	s31 =	simm.s32 $0x4000;
	[sflag:s14] =	ssyncadd.s32 $0xFFFFD800  }
0x2e: {  	[spmem:s2] =	stream.indirect.scatter.add.f32 [tilespmem:s18], [sflag:$0x1], $0x80, s31, s17, $0xb8;
	[tilespmem:$0x1EB00] =	vst v63  }
0x2f: {  	_ =	swait.ge [sflag:s14], $0x2800  }
0x30: {  	[sflag:s14] =	ssyncset.done $0x0  }
0x31: {  	[sflag:s14] =	ssyncadd.s32 $0xFFFFD800  }
0x32: {  	[spmem:s3] =	stream.indirect.scatter.add.f32 [tilespmem:s19], [sflag:$0x1], $0x1, s31, s17, $0xb8;
	[tilespmem:$0x1EB00] =	vst v63  }
0x33: {  	_ =	swait.ge [sflag:s14], $0x50  }
0x34: {  	s22 =	simm.s32 $0x400;
	s21 =	simm.s32 $0x200;
	[sflag:s14] =	ssyncset.done $0x0  }
.LBB2_2:
0x35: {  	s23 =	sshra.s32 s21, $0x2  }
0x36: {  	[sflag:s14] =	ssyncadd.s32 $0xFFFFFFB0;
	s21 =	smov.u32 s22;
	s24 =	sadd.s32 $0x200, s22  }
0x37: {  	[tilespmem:s18], [sflag:$0x1] =	stream.indirect.gather [hbm4b:s0+s17], $0x80, s23, s17, $0xb8;
	[tilespmem:$0x1EB00] =	vst v63  }
0x38: {  	p1 =	sne.s32 s22, $0xF800;
	_ =	swait.ge [sflag:s14], $0x2800  }
0x39: {  	[sflag:s14] =	ssyncset.done $0x0  }
0x3a: {  	s22 =	sadd.s32 $0x4000, s23;
	[sflag:s14] =	ssyncadd.s32 $0xFFFFD800  }
0x3b: {  	[spmem:s2] =	stream.indirect.scatter.add.f32 [tilespmem:s18], [sflag:$0x1], $0x80, s22, s17, $0xb8;
	[tilespmem:$0x1EB00] =	vst v63  }
0x3c: {  	_ =	swait.ge [sflag:s14], $0x2800  }
.Ltmp0:
0x3d: {  	[sflag:s14] =	ssyncset.done $0x0;
	(pc) =	sbr.rel @p1 .LBB2_2-.Ltmp0, $4  }
0x3e: {  	[sflag:s14] =	ssyncadd.s32 $0xFFFFD800  }
0x3f: {  	[spmem:s3] =	stream.indirect.scatter.add.f32 [tilespmem:s19], [sflag:$0x1], $0x1, s22, s17, $0xb8;
	[tilespmem:$0x1EB00] =	vst v63  }
0x40: {  	_ =	swait.ge [sflag:s14], $0x50  }
0x41: {  	s22 =	smov.u32 s24;
	[sflag:s14] =	ssyncset.done $0x0  }
0x42: {  	s21 =	sshra.s32 s21, $0x2;
	[sflag:s14] =	ssyncadd.s32 $0xFFFFFFB0  }
0x43: {  	[tilespmem:s18], [sflag:$0x1] =	stream.indirect.gather [hbm4b:s0+s17], $0x80, s21, s17, $0xb8;
	[tilespmem:$0x1EB00] =	vst v63  }
0x44: {  	_ =	swait.ge [sflag:s14], $0x2800  }
0x45: {  	[sflag:s14] =	ssyncset.done $0x0  }
0x46: {  	s21 =	sadd.s32 $0x4000, s21;
	[sflag:s14] =	ssyncadd.s32 $0xFFFFD800  }
0x47: {  	[spmem:s2] =	stream.indirect.scatter.add.f32 [tilespmem:s18], [sflag:$0x1], $0x80, s21, s17, $0xb8;
	[tilespmem:$0x1EB00] =	vst v63  }
0x48: {  	_ =	swait.ge [sflag:s14], $0x2800  }
0x49: {  	[sflag:s14] =	ssyncset.done $0x0  }
0x4a: {  	[sflag:s14] =	ssyncadd.s32 $0xFFFFD800  }
0x4b: {  	[spmem:s3] =	stream.indirect.scatter.add.f32 [tilespmem:s19], [sflag:$0x1], $0x1, s21, s17, $0xb8;
	[tilespmem:$0x1EB00] =	vst v63  }
0x4c: {  	_ =	swait.ge [sflag:s14], $0x50  }
0x4d: {  	[sflag:s14] =	ssyncset.done $0x0  }
0x4e: {  	[sflag:s14] =	ssyncadd.s32 $0xFFFFFFB0  }
0x4f: {  	[bflag:$0x0] =	sbarrier.arrive $0xFFFF  }
0x50: {  	[hbm:s10], [sflag:s7] =	dma.local [spmem:s13], $0x2800  }
0x51: {  	s22 =	simm.s32 @!p0 $0x20;
	s20 =	sadd.s32 $0x1, s20;
	_ =	swait.ge [sflag:s14], $0x2800  }
0x52: {  	s23 =	simm.s32 @!p0 $0x10;
	p1 =	sne.s32 s20, s12;
	[sflag:s14] =	ssyncset.done $0x0  }
.Ltmp1:
0x53: {  	s21 =	simm.s32 @!p0 $0x1;
	[sflag:s14] =	ssyncadd.s32 $0xFFFFD800;
	(pc) =	sbr.rel @p1 .LBB2_1-.Ltmp1, $4  }
0x54: {  	[hbm:s11@s22], [sflag:s7] =	dma.strided @!p0 [spmem:s15@s23], $0x500, s21, $0x10   }
0x55: {  	_ =	swait.ge @!p0 [sflag:s21], $0x500  }
0x56: {  	[sflag:s21] =	ssyncset.done @!p0 $0x0  }
0x57: {  	[sflag:s21] =	ssyncadd.s32 @!p0 $0xFFFFFB00  }
0x58: {  	_ =	sfence.sel $0x180000  }
0x59: {  	[bflag:$0x0] =	sbarrier.arrive $0xFFFF  }
0x5a: {  	_ =	strace $0x90000047  }
0x5b: {  	s0 =	sadd.s32 @!p0 $0x100000, s1;
	[bflag:$0x2] =	sbarrier.arrive $0xFFFF  }
0x5c: {  	[sflag:s0] =	ssyncadd.tile.s32 @!p0 $0x1;
	_ =	shalt  }
.Lfunc_end2:
_tile_overlayer_lowered:
.L_overlay_start_2:
0x5d: {  	(tag) =	ssettag $0x2  }
0x5e: {  	s0 =	rddreg [dreg:$0x0];
	s2 =	stileid.u32  }
0x5f: {  	s1 =	rddreg [dreg:$0x1];
	p0 =	sne.s32 s2, $0x0  }
0x60: {  	s3 =	rddreg [dreg:$0x2];
	[bflag:$0x3] =	sbarrier.arrive $0xFFFF;
	s2 =	simm.s32 @!p0 $0x1C01  }
0x61: {  	[timem:s3], [sflag:s2] =	dma.local @!p0 [hbm:s0], s1  }
0x62: {  	s0 =	simm.s32 @!p0 $0x1  }
0x63: {  	_ =	swait.ge @!p0 [sflag:s0], s1  }
0x64: {  	s1 =	ssub.s32 @!p0 $0x0, s1;
	[sflag:s0] =	ssyncset.done @!p0 $0x0  }
0x65: {  	[sflag:s0] =	ssyncadd.s32 @!p0 s1  }
0x66: {  	[bflag:$0x3] =	sbarrier.arrive $0xFFFF  }
0x67: {  	_ =	shalt  }

// kernel: kernel.9.cloned.1.call-start
scs
__scs_entry_jumppad:
0x0: {  	(pc) =	sbr.rel $0x88, $3  }
0x1: {  	(tag) =	ssettag $0x0;
	lr =	simm.s32 $0x1  }
0x2: {  	[smem:$0x3F90] =	sst lr;
	_ =	strace $0xD0000000  }
0x3: {  	_ = 	snop  }
0x4: {  	_ = 	snop  }
0x5: {  	_ = 	snop  }
0x6: {  	_ = 	snop  }
0x7: {  	_ = 	snop  }
__scs_overlays_trampoline_lowered:
0x8: {  	[smem:$0x3F9F] =	sst s0  }
0x9: {  	[smem:$0x3FA0] =	sst s1  }
0xa: {  	[smem:$0x3FA1] =	sst s2  }
0xb: {  	[smem:$0x3FA2] =	sst s3  }
0xc: {  	[smem:$0x3FA3] =	sst s4  }
0xd: {  	[smem:$0x3FA4] =	sst s5  }
0xe: {  	[smem:$0x3FA5] =	sst s6  }
0xf: {  	[smem:$0x3FA6] =	sst s7  }
0x10: {  	[smem:$0x3FA7] =	sst s8  }
0x11: {  	[smem:$0x3FA8] =	sst s9;
	s0 =	simm.s32 @!p0 $0x0  }
0x12: {  	s1 =	sld [smem:$0x3F8E];
	s0 =	simm.s32 @p0 $0x1  }
0x13: {  	[smem:$0x3FA9] =	sst s0;
	s0 =	simm.s32 @!p1 $0x0  }
0x14: {  	s2 =	sld [smem:$0x3F8D];
	s0 =	simm.s32 @p1 $0x1  }
0x15: {  	[smem:$0x3FAA] =	sst s0;
	s0 =	simm.s32 @!p2 $0x0  }
0x16: {  	s3 =	sld [smem:$0x3FDB];
	s0 =	simm.s32 @p2 $0x1  }
0x17: {  	s4 =	simm.s32 $0x1BF5;
	[smem:$0x3FAC] =	sst s0  }
0x18: {  	s0 =	sld [smem:$0x3F8F];
	_ =	swait.ge [sflag:s4], $0x0  }
0x19: {  	s7 =	sld [smem:$0x3F90]  }
0x1a: {  	s8 =	sadd.s32 $0xFFFFE003, lr  }
0x1b: {  	s9 =	sadd.s32 $0xFFFFFEF7, lr;
	s5 =	simm.s32 $0xFFFFFFFF;
	p2 =	slt.u32 s8, $0xFFFFF086  }
0x1c: {  	p1 =	slt.u32 s9, $0xF7A;
	s5 =	simm.s32 @!p2 $0x0  }
0x1d: {  	s5 =	simm.s32 @p1 $0x1;
	p0 =	seq.s32 s7, s2  }
0x1e: {  	s7 =	smul.u32 @!p0 $0xF7A, s2;
	p2 =	seq.s32 @!p0 s5, $0x0  }
0x1f: {  	s9 =	smul.u32 $0xF7A, s1;
	s8 =	simm.s32 @!p0 $0x1BF5;
	p2 =	por !p2, p0  }
0x20: {  	[sflag:s8] =	ssyncset.s32 @!p0 $0xFFFFF086;
	s6 =	sadd.s32 @!p0 s3, s7;
	s7 =	simm.s32 @!p0 $0x108  }
0x21: {  	s3 =	sadd.s32 s3, s9;
	s6 =	sadd.s32 @!p0 $0x88, s6;
	s7 =	simm.s32 @p2 $0x1082  }
0x22: {  	[simem:s7], [sflag:s8] =	dma.local @!p0 [hbm:s6], $0xF7A  }
0x23: {  	s9 =	sor.u32 $0xD0000000, s2;
	s6 =	simm.s32 $0x108;
	_ =	swait.ge @!p0 [sflag:s8], $0x0  }
0x24: {  	s3 =	sadd.s32 $0x88, s3;
	s6 =	simm.s32 @!p1 $0x1082;
	[sflag:s4] =	ssyncset.s32 $0xFFFFF086  }
0x25: {  	[simem:s6], [sflag:s4] =	dma.local [hbm:s3], $0xF7A  }
0x26: {  	[smem:$0x3F90] =	sst s1;
	(tag) =	ssettag s2;
	_ =	strace s9  }
0x27: {  	s1 =	sld [smem:$0x3FA0]  }
0x28: {  	s2 =	sld [smem:$0x3FA1]  }
0x29: {  	s4 =	sld [smem:$0x3FA3]  }
0x2a: {  	p0 =	seq.s32 s5, $0x0;
	s5 =	sld [smem:$0x3FA4]  }
0x2b: {  	s6 =	sld [smem:$0x3FA5]  }
0x2c: {  	s7 =	sld [smem:$0x3FA6]  }
0x2d: {  	s3 =	simm.s32 $0x108;
	s8 =	sld [smem:$0x3FA7]  }
0x2e: {  	s3 =	simm.s32 @!p0 $0x1082;
	s9 =	sld [smem:$0x3FA8]  }
0x2f: {  	lr =	sadd.s32 s0, s3;
	s0 =	sld [smem:$0x3F9F]  }
0x30: {  	s3 =	sld [smem:$0x3FA2]  }
0x31: {  	[smem:$0x3FAB] =	sst s10  }
0x32: {  	s10 =	sld [smem:$0x3FA9];
	_ =	sdelay $0x3  }
0x33: {  	p0 =	seq.s32 s10, $0x1;
	s10 =	sld [smem:$0x3FAB];
	_ =	sdelay $0x3  }
0x34: {  	[smem:$0x3FAB] =	sst s10  }
0x35: {  	s10 =	sld [smem:$0x3FAA];
	_ =	sdelay $0x3  }
0x36: {  	p1 =	seq.s32 s10, $0x1;
	s10 =	sld [smem:$0x3FAB];
	_ =	sdelay $0x3  }
0x37: {  	[smem:$0x3FAB] =	sst s10  }
0x38: {  	s10 =	sld [smem:$0x3FAC]  }
0x39: {  	_ = 	snop;
	(pc) =	sbr.ind lr, $3  }
0x3a: {  	_ = 	snop  }
0x3b: {  	_ = 	snop  }
0x3c: {  	p2 =	seq.s32 s10, $0x1;
	s10 =	sld [smem:$0x3FAB]  }
0x3d: {  	_ =	shalt  }
0x3e: {  	_ =	shalt  }
0x3f: {  	_ =	shalt  }
0x40: {  	_ =	shalt  }
0x41: {  	_ =	shalt  }
0x42: {  	_ =	shalt  }
0x43: {  	_ =	shalt  }
0x44: {  	_ =	shalt  }
0x45: {  	_ =	shalt  }
0x46: {  	_ =	shalt  }
0x47: {  	_ =	shalt  }
0x48: {  	_ =	shalt  }
0x49: {  	_ =	shalt  }
0x4a: {  	_ =	shalt  }
0x4b: {  	_ =	shalt  }
0x4c: {  	_ =	shalt  }
0x4d: {  	_ =	shalt  }
0x4e: {  	_ =	shalt  }
0x4f: {  	_ =	shalt  }
0x50: {  	_ =	shalt  }
0x51: {  	_ =	shalt  }
0x52: {  	_ =	shalt  }
0x53: {  	_ =	shalt  }
0x54: {  	_ =	shalt  }
0x55: {  	_ =	shalt  }
0x56: {  	_ =	shalt  }
0x57: {  	_ =	shalt  }
0x58: {  	_ =	shalt  }
0x59: {  	_ =	shalt  }
0x5a: {  	_ =	shalt  }
0x5b: {  	_ =	shalt  }
0x5c: {  	_ =	shalt  }
0x5d: {  	_ =	shalt  }
0x5e: {  	_ =	shalt  }
0x5f: {  	_ =	shalt  }
0x60: {  	_ =	shalt  }
0x61: {  	_ =	shalt  }
0x62: {  	_ =	shalt  }
0x63: {  	_ =	shalt  }
0x64: {  	_ =	shalt  }
0x65: {  	_ =	shalt  }
0x66: {  	_ =	shalt  }
0x67: {  	_ =	shalt  }
0x68: {  	_ =	shalt  }
0x69: {  	_ =	shalt  }
0x6a: {  	_ =	shalt  }
0x6b: {  	_ =	shalt  }
0x6c: {  	_ =	shalt  }
0x6d: {  	_ =	shalt  }
0x6e: {  	_ =	shalt  }
0x6f: {  	_ =	shalt  }
0x70: {  	_ =	shalt  }
0x71: {  	_ =	shalt  }
0x72: {  	_ =	shalt  }
0x73: {  	_ =	shalt  }
0x74: {  	_ =	shalt  }
0x75: {  	_ =	shalt  }
0x76: {  	_ =	shalt  }
0x77: {  	_ =	shalt  }
0x78: {  	_ =	shalt  }
0x79: {  	_ =	shalt  }
0x7a: {  	_ =	shalt  }
0x7b: {  	_ =	shalt  }
0x7c: {  	_ =	shalt  }
0x7d: {  	_ =	shalt  }
0x7e: {  	_ =	shalt  }
0x7f: {  	_ =	shalt  }
0x80: {  	_ =	shalt  }
0x81: {  	_ =	shalt  }
0x82: {  	_ =	shalt  }
0x83: {  	_ =	shalt  }
0x84: {  	_ =	shalt  }
0x85: {  	_ =	shalt  }
0x86: {  	_ =	shalt  }
0x87: {  	_ =	shalt  }
.Lfunc_end0:
.L_simem_size_0:
called_computation.1_lowered:
.L_overlay_start_0:
0x88: {  	s2 =	sld [smem:$0x3FD9]  }
0x89: {  	s3 =	sld [smem:$0x3FFE];
	_ =	sdelay $0x1  }
0x8a: {  	s1 =	srdreg.scid  }
0x8b: {  	s0 =	sand.u32 $0x1, s1  }
0x8c: {  	s16 =	sshll.u32 s0, $0xA;
	s2 =	sadd.s32 s3, s2  }
0x8d: {  	s2 =	sadd.s32 s2, s16  }
0x8e: {  	[smem:$0x3FB7] =	sst s2  }
0x8f: {  	_ = 	snop  }
0x90: {  	(tm) =	ssettm $0x1  }
0x91: {  	s17 =	sld [smem:$0x3FFB];
	_ =	sdelay $0x3  }
0x92: {  	_ =	strace s17  }
0x93: {  	s2 =	sld [smem:$0x3FFC];
	_ =	sdelay $0x3  }
0x94: {  	_ =	strace s2  }
0x95: {  	s2 =	sld [smem:$0x3FFD];
	_ =	sdelay $0x3  }
0x96: {  	_ =	strace s2  }
0x97: {  	_ =	strace $0x8FFFFFFF  }
0x98: {  	s18 =	sld [smem:$0x3FDB];
	_ =	sdelay $0x1  }
0x99: {  	s19 =	simm.s32 $_scs_section_size  }
0x9a: {  	s4 =	simm.s32 $_size__tile_overlayer_lowered;
	s5 =	simm.s32 $_tile_overlayer_lowered  }
0x9b: {  	s22 =	simm.s32 $0x1BFF;
	s21 =	sshll.u32 s5, $0x1;
	s2 =	sadd.s32 s19, s18  }
0x9c: {  	s6 =	simm.s32 $0x0;
	s20 =	sshll.u32 s4, $0x1;
	s4 =	sadd.s32 s21, s2  }
0x9d: {  	[timem:s6], [sflag:s22] =	dma.local [hbm:s4], s20  }
0x9e: {  	_ =	swait.ge [sflag:s22], s20  }
0x9f: {  	s3 =	ssub.s32 $0x0, s20;
	[sflag:s22] =	ssyncset.done $0x0  }
0xa0: {  	[sflag:s22] =	ssyncadd.s32 s3;
	_ =	sdelay $0x1  }
0xa1: {  	s23 =	simm.s32 $0x1B8B  }
0xa2: {  	_ =	swait.ge [sflag:s23], $0x1  }
0xa3: {  	[sflag:s23] =	ssyncset.done $0x0  }
0xa4: {  	s25 =	simm.s32 $0x1B8E;
	s24 =	sld [smem:$0x3FFE];
	[sflag:s23] =	ssyncadd.s32 $0xFFFFFFFF  }
0xa5: {  	s26 =	simm.s32 $execute0_lowered;
	[smem:$0x3FD2] =	sst s25  }
0xa6: {  	s4 =	sshll.u32 s26, $0x1;
	_ =	strace $0x80000049;
	[dreg:$0x1] =	wrdreg $0xFFFFFFFF  }
0xa7: {  	s28 =	simm.s32 $_size_execute0_lowered;
	s2 =	sadd.s32 s2, s4;
	[dreg:$0x0] =	wrdreg $0x0  }
0xa8: {  	s4 =	sshll.u32 s28, $0x1;
	[dreg:$0x2] =	wrdreg s2  }
0xa9: {  	[dreg:$0x3] =	wrdreg s4  }
0xaa: {  	[dreg:$0x4] =	wrdreg $0xC0  }
0xab: {  	_ =	task [dreg:s6], $0x5FFFF  }
0xac: {  	[dreg:$0x1] =	wrdreg $0xFFFFFFFF  }
0xad: {  	[dreg:$0x0] =	wrdreg $0x60  }
0xae: {  	[dreg:$0x2] =	wrdreg s24  }
0xaf: {  	[dreg:$0x3] =	wrdreg $0xA8000  }
0xb0: {  	[dreg:$0x4] =	wrdreg $0x9  }
0xb1: {  	_ =	task.clear_ibuf [dreg:s6], $0x5FFFF;
	_ =	strace $0x90000049  }
0xb2: {  	s29 =	simm.s32 $0x9;
	_ =	strace $0x8000004B  }
0xb3: {  	_ =	swait.ge [sflag:s29], $0x1  }
0xb4: {  	[sflag:s29] =	ssyncadd.s32 $0xFFFFFFFF  }
0xb5: {  	_ =	strace $0x9000004B  }
0xb6: {  	_ =	sfence  }
0xb7: {  	s30 =	sld [smem:$0x0];
	_ =	sdelay $0x2  }
0xb8: {  	s31 =	sshll.u32 s1, $0xD;
	s1 =	sshrl.u32 s1, $0x2  }
0xb9: {  	s3 =	sand.u32 $0x4000, s31;
	s1 =	sadd.s32 s1, s30  }
0xba: {  	s0 =	sor.u32 s3, s0;
	s1 =	sshll.u32 s1, $0x11  }
0xbb: {  	s0 =	sor.u32 s1, s0  }
0xbc: {  	s0 =	sadd.s32 $0x8F2B, s0  }
0xbd: {  	[sflag:s0] =	ssyncadd.remote.s32 $0x1  }
0xbe: {  	_ =	sfence.sel $0xFFFF  }
0xbf: {  	[dreg:$0x0] =	wrdreg $0xFFFFFFFF;
	(pc) =	sbr.abs _section_cstart, $3  }
0xc0: {  	[dreg:$0x1] =	wrdreg $0xFFFFFFFF  }
0xc1: {  	_ =	task.clear_ibuf [dreg:s6], $0x2FFFF;
	_ =	strace $0x9FFFFFFF  }
0xc2: {  	(tm) =	ssettm $0x7FFFFFFF  }
0xc3: {  	_ =	shalt  }
tec
execute0_lowered:
.L_overlay_start_1:
0x0: {  	(tag) =	ssettag $0x1  }
0x1: {  	s6 =	rddreg [dreg:$0x0]  }
0x2: {  	s1 =	rddreg [dreg:$0x1]  }
0x3: {  	s0 =	rddreg [dreg:$0x2];
	s3 =	simm.s32 $0x0;
	s2 =	srdreg.scid  }
0x4: {  	s14 =	simm.s32 $0x50;
	s15 =	simm.s32 $0x8000;
	s16 =	simm.s32 $0x0  }
0x5: {  	[smem:$0x7FF] =	sst s3;
	s5 =	sand.u32 $0x1, s2;
	s2 =	stileid.u32  }
0x6: {  	s7 =	smul.u32 $0x140000, s5;
	s4 =	sshll.u32 s5, $0xF;
	s8 =	sshll.u32 s2, $0xB  }
0x7: {  	s9 =	smul.u32 $0x14000, s2;
	_ =	strace $0x8000004A;
	s28 =	ssub.s32 $0x2, s5  }
0x8: {  	s10 =	smul.u32 $0x50000, s2;
	s5 =	sadd.s32 $0x23800, s6;
	s31 =	sshll.u32 s2, $0x6  }
0x9: {  	s8 =	sor.u32 s8, s4;
	s4 =	sadd.s32 $0x26000, s6;
	s29 =	sshrl.u32 s28, $0x1  }
0xa: {  	s8 =	sadd.s32 s8, s6;
	s7 =	sadd.s32 s9, s7;
	s30 =	sshrl.u32 s10, $0x2  }
0xb: {  	s12 =	ssub.s32 s28, s29;
	s7 =	sshrl.u32 s7, $0x3;
	s13 =	sadd.s32 s30, s1  }
0xc: {  	s10 =	smax.u32 s12, $0x1;
	s12 =	simm.s32 $0x1;
	s11 =	sadd.s32 s7, s6  }
0xd: {  	s6 =	sor.u32 $0x1C01, s31;
	s7 =	sadd.s32 $0x13200, s8;
	s8 =	sadd.s32 $0x3200, s8  }
0xe: {  	s9 =	sadd.s32 $0xC6000, s11;
	s11 =	sshrl.u32 s13, $0x3;
	s13 =	simm.s32 $0x4000  }
.LBB2_1:
0xf: {  	[spmem:s11], [sflag:s6] =	dma.local [hbm:s5], $0x2800  }
0x10: {  	_ =	swait.ge [sflag:s12], $0x2800  }
0x11: {  	[sflag:s12] =	ssyncset.done $0x0  }
0x12: {  	[sflag:s12] =	ssyncadd.s32 $0xFFFFD800  }
0x13: {  	[bflag:$0x0] =	sbarrier.arrive $0xFFFF  }
0x14: {  	[tilespmem:s3], [sflag:$0x1] =	stream.linear.gather [hbm4b:s7+s3], $0x3E80, $0x38;
	[tilespmem:$0x1E800] =	vst v63  }
0x15: {  	_ =	swait.ge [sflag:s12], $0x3E80  }
0x16: {  	[sflag:s12] =	ssyncset.done $0x0  }
0x17: {  	[sflag:s12] =	ssyncadd.s32 $0xFFFFC180  }
0x18: {  	[tilespmem:s13], [sflag:$0x1] =	stream.linear.gather [hbm4b:s8+s3], $0x3E80, $0x38;
	[tilespmem:$0x1E800] =	vst v63  }
0x19: {  	_ =	swait.ge [sflag:s12], $0x3E80  }
0x1a: {  	[sflag:s12] =	ssyncset.done $0x0  }
0x1b: {  	s17 =	simm.s32 $0x0;
	[sflag:s12] =	ssyncadd.s32 $0xFFFFC180  }
0x1c: {  	[tilespmem:s15], [sflag:$0x1] =	stream.indirect.gather [hbm4b:s4+s14], $0x80, s17, s14, $0xb8;
	[tilespmem:$0x1E800] =	vst v63  }
0x1d: {  	_ =	swait.ge [sflag:s12], $0x2800  }
0x1e: {  	[sflag:s12] =	ssyncset.done $0x0  }
0x1f: {  	s31 =	simm.s32 $0x4000;
	[sflag:s12] =	ssyncadd.s32 $0xFFFFD800  }
0x20: {  	[spmem:s1] =	stream.indirect.scatter.add.f32 [tilespmem:s15], [sflag:$0x1], $0x80, s31, s14, $0xb8;
	[tilespmem:$0x1E800] =	vst v63  }
0x21: {  	_ =	swait.ge [sflag:s12], $0x2800  }
0x22: {  	s18 =	simm.s32 $0x400;
	s17 =	simm.s32 $0x200;
	[sflag:s12] =	ssyncset.done $0x0  }
.LBB2_2:
0x23: {  	s19 =	sshra.s32 s17, $0x2  }
0x24: {  	[sflag:s12] =	ssyncadd.s32 $0xFFFFD800;
	s17 =	smov.u32 s18;
	s20 =	sadd.s32 $0x200, s18  }
0x25: {  	[tilespmem:s15], [sflag:$0x1] =	stream.indirect.gather [hbm4b:s4+s14], $0x80, s19, s14, $0xb8;
	[tilespmem:$0x1E800] =	vst v63  }
0x26: {  	p0 =	sne.s32 s18, $0xF800;
	_ =	swait.ge [sflag:s12], $0x2800  }
.Ltmp0:
0x27: {  	[sflag:s12] =	ssyncset.done $0x0;
	(pc) =	sbr.rel @p0 .LBB2_2-.Ltmp0, $4  }
0x28: {  	s18 =	sadd.s32 $0x4000, s19;
	[sflag:s12] =	ssyncadd.s32 $0xFFFFD800  }
0x29: {  	[spmem:s1] =	stream.indirect.scatter.add.f32 [tilespmem:s15], [sflag:$0x1], $0x80, s18, s14, $0xb8;
	[tilespmem:$0x1E800] =	vst v63  }
0x2a: {  	_ =	swait.ge [sflag:s12], $0x2800  }
0x2b: {  	s18 =	smov.u32 s20;
	[sflag:s12] =	ssyncset.done $0x0  }
0x2c: {  	s17 =	sshra.s32 s17, $0x2;
	[sflag:s12] =	ssyncadd.s32 $0xFFFFD800  }
0x2d: {  	[tilespmem:s15], [sflag:$0x1] =	stream.indirect.gather [hbm4b:s4+s14], $0x80, s17, s14, $0xb8;
	[tilespmem:$0x1E800] =	vst v63  }
0x2e: {  	_ =	swait.ge [sflag:s12], $0x2800  }
0x2f: {  	[sflag:s12] =	ssyncset.done $0x0  }
0x30: {  	s17 =	sadd.s32 $0x4000, s17;
	[sflag:s12] =	ssyncadd.s32 $0xFFFFD800  }
0x31: {  	[spmem:s1] =	stream.indirect.scatter.add.f32 [tilespmem:s15], [sflag:$0x1], $0x80, s17, s14, $0xb8;
	[tilespmem:$0x1E800] =	vst v63  }
0x32: {  	_ =	swait.ge [sflag:s12], $0x2800  }
0x33: {  	s16 =	sadd.s32 $0x1, s16;
	[sflag:s12] =	ssyncset.done $0x0  }
0x34: {  	p0 =	sne.s32 s16, s10;
	[sflag:s12] =	ssyncadd.s32 $0xFFFFD800  }
.Ltmp1:
0x35: {  	[bflag:$0x0] =	sbarrier.arrive $0xFFFF;
	(pc) =	sbr.rel @p0 .LBB2_1-.Ltmp1, $4  }
0x36: {  	[hbm:s9], [sflag:s6] =	dma.local [spmem:s11], $0x2800  }
0x37: {  	_ =	swait.ge [sflag:s12], $0x2800  }
0x38: {  	[sflag:s12] =	ssyncset.done $0x0  }
0x39: {  	[sflag:s12] =	ssyncadd.s32 $0xFFFFD800  }
0x3a: {  	_ =	sfence.sel $0x180000  }
0x3b: {  	[bflag:$0x0] =	sbarrier.arrive $0xFFFF  }
0x3c: {  	p0 =	sne.s32 s2, $0x0;
	_ =	strace $0x9000004A  }
0x3d: {  	s0 =	sadd.s32 @!p0 $0x100000, s0;
	[bflag:$0x2] =	sbarrier.arrive $0xFFFF  }
0x3e: {  	[sflag:s0] =	ssyncadd.tile.s32 @!p0 $0x1;
	_ =	shalt  }
.Lfunc_end2:
_tile_overlayer_lowered:
.L_overlay_start_2:
0x3f: {  	(tag) =	ssettag $0x2  }
0x40: {  	s0 =	rddreg [dreg:$0x0];
	s2 =	stileid.u32  }
0x41: {  	s1 =	rddreg [dreg:$0x1];
	p0 =	sne.s32 s2, $0x0  }
0x42: {  	s3 =	rddreg [dreg:$0x2];
	[bflag:$0x3] =	sbarrier.arrive $0xFFFF;
	s2 =	simm.s32 @!p0 $0x1C01  }
0x43: {  	[timem:s3], [sflag:s2] =	dma.local @!p0 [hbm:s0], s1  }
0x44: {  	s0 =	simm.s32 @!p0 $0x1  }
0x45: {  	_ =	swait.ge @!p0 [sflag:s0], s1  }
0x46: {  	s1 =	ssub.s32 @!p0 $0x0, s1;
	[sflag:s0] =	ssyncset.done @!p0 $0x0  }
0x47: {  	[sflag:s0] =	ssyncadd.s32 @!p0 s1  }
0x48: {  	[bflag:$0x3] =	sbarrier.arrive $0xFFFF  }
0x49: {  	_ =	shalt  }

</sc_bundles>
